<compile_context>
chip_gen: v7x
topology: tpu7x:2x2x1
jax: 0.10.2.dev20260603
libtpu: 0.0.44.dev20260713+nightly
codegen_flags: <defaults>
</compile_context>

<pallas_src>
import functools
import math

import numpy as np
import jax
import jax.numpy as jnp
from jax import lax
from jax.experimental import pallas as pl
from jax.experimental.pallas import tpu as pltpu
from jax.experimental.pallas import tpu_sc as plsc

_D = 64
_SCALE = math.sqrt(_D)
_C = 128
_L = 16
_VB = 16384
_H = _VB // 2
_W = 65


def _relayout_block(t_ref, out_ref):
    x = t_ref[...]
    ii = lax.broadcasted_iota(jnp.int32, (_D, 2 * _D), 0)
    jj = lax.broadcasted_iota(jnp.int32, (_D, 2 * _D), 1)
    e1 = (ii == jj).astype(jnp.float32)
    e2 = ((ii + _D) == jj).astype(jnp.float32)
    dims = (((0,), (0,)), ((), ()))
    left = lax.dot_general(x[:, :_H], e1, dims,
                           preferred_element_type=jnp.float32)
    right = lax.dot_general(x[:, _H:], e2, dims,
                            preferred_element_type=jnp.float32)
    out_ref[...] = left + right


@functools.lru_cache(maxsize=None)
def _make_relayout(v: int):
    nb = (v + _VB - 1) // _VB
    return pl.pallas_call(
        _relayout_block,
        grid=(nb,),
        in_specs=[pl.BlockSpec((_D, _VB), lambda i: (0, i))],
        out_specs=pl.BlockSpec((_H, 2 * _D), lambda i: (i, 0)),
        out_shape=jax.ShapeDtypeStruct((nb * _H, 2 * _D), jnp.float32),
    )


@functools.lru_cache(maxsize=None)
def _make_gather(S: int, B: int):
    info = plsc.get_sparse_core_info()
    nw = info.num_cores * info.num_subcores
    assert B == nw * _C

    mesh = plsc.VectorSubcoreMesh(core_axis_name="c", subcore_axis_name="s")
    ngrp = _C // _L

    @functools.partial(
        pl.kernel,
        mesh=mesh,
        out_type=jax.ShapeDtypeStruct((S, _D, B), jnp.float32),
        compiler_params=pltpu.CompilerParams(
            use_tc_tiling_on_sc=True, needs_layout_passes=False
        ),
        scratch_types=[
            pltpu.VMEM((S, _C), jnp.int32),
            pltpu.VMEM((_C,), jnp.int32),
            pltpu.VMEM((_C,), jnp.int32),
            pltpu.VMEM((_C + _L,), jnp.int32),
            pltpu.VMEM((_C + _L,), jnp.int32),
            pltpu.VMEM((_C, _C), jnp.float32),
            pltpu.VMEM((_C, _C), jnp.float32),
            pltpu.VMEM((_C * _W,), jnp.float32),
            pltpu.VMEM((_D, _C), jnp.float32),
            pltpu.VMEM((_D, _C), jnp.float32),
            pltpu.SemaphoreType.DMA,
            pltpu.SemaphoreType.DMA,
            pltpu.SemaphoreType.DMA,
            pltpu.SemaphoreType.DMA,
        ],
    )
    def k(tokens_hbm, table_hbm, out_hbm, tokbuf, idx0, idx1, par0, par1,
          g0, g1, sbuf, o0, o1, gsem0, gsem1, osem0, osem1):
        idx = (idx0, idx1)
        par = (par0, par1)
        gbuf = (g0, g1)
        obuf = (o0, o1)
        gsem = (gsem0, gsem1)
        osem = (osem0, osem1)

        wid = lax.axis_index("s") * info.num_cores + lax.axis_index("c")
        col = wid * _C
        pltpu.sync_copy(tokens_hbm.at[:, pl.ds(col, _C)], tokbuf)

        shv = _VB.bit_length() - 1
        shh = shv - 1

        def build(s, slot):
            for g in range(ngrp):
                sl = pl.ds(g * _L, _L)
                t = tokbuf[s, sl]
                idx[slot][sl] = lax.shift_left(
                    lax.shift_right_logical(t, shv), shh) | (t & (_H - 1))
                par[slot][sl] = lax.shift_left(
                    lax.shift_right_logical(t, shh) & 1, 6)

        def gather(slot):
            return pltpu.async_copy(table_hbm.at[idx[slot]], gbuf[slot],
                                    gsem[slot])

        def out_slice(s):
            return out_hbm.at[s, :, pl.ds(col, _C)]

        row65 = [(lax.iota(jnp.int32, _L) + g * _L) * _W for g in range(ngrp)]

        build(0, 0)
        gather(0)

        @pl.loop(0, S // 2)
        def _outer(so):
            for slot in range(2):
                s = so * 2 + slot
                nslot = 1 - slot

                @pl.when(s + 1 < S)
                def _prefetch():
                    build(s + 1, nslot)
                    gather(nslot)

                pltpu.make_async_copy(table_hbm.at[idx[slot]], gbuf[slot],
                                      gsem[slot]).wait()

                @pl.when(s >= 2)
                def _drain():
                    pltpu.make_async_copy(obuf[slot], out_slice(s - 2),
                                          osem[slot]).wait()

                src = gbuf[slot]
                dst = obuf[slot]
                pslot = par[slot]

                @plsc.parallel_loop(0, _C, unroll=4)
                def _select(j):
                    p = pslot[pl.ds(j, _L)][0]
                    base = j * _W
                    for q in range(_D // _L):
                        sbuf[pl.ds(base + q * _L, _L)] = (
                            src[j, pl.ds(p + q * _L, _L)] * _SCALE)

                @plsc.parallel_loop(0, _D, unroll=2)
                def _transpose(f):
                    for g in range(ngrp):
                        dst[f, pl.ds(g * _L, _L)] = plsc.load_gather(
                            sbuf, [row65[g] + f])

                pltpu.async_copy(dst, out_slice(s), osem[slot])

        pltpu.make_async_copy(obuf[0], out_slice(S - 2), osem[0]).wait()
        pltpu.make_async_copy(obuf[1], out_slice(S - 1), osem[1]).wait()

    return k


def kernel(tokens, table):
    s0, s1 = tokens.shape
    v, d = table.shape
    assert d == _D
    tokens_t = tokens.T.astype(jnp.int32)
    table2 = _make_relayout(v)(table.T)
    out = _make_gather(s1, s0)(tokens_t, table2)
    return jnp.transpose(out, (2, 0, 1))

# --- scband reference (transcript-rebuilt; emitter-appended) ---
"""Pipeline reference for scband-token-embedding-34668976013596 (READ-ONLY COPY).

The authoritative reference and input builder live on the scoring server;
editing this copy changes nothing except your own understanding.
"""

import jax, jax.numpy as jnp
import numpy as np
import math

VOCAB_SIZE = 1000000
EMB_SIZE = 64

def setup_inputs(seed: int = 0) -> dict:
    key = jax.random.key(seed)
    k1, k2 = jax.random.split(key)
    tokens = jax.random.randint(k1, (4096, 200), 0, VOCAB_SIZE, dtype=jnp.int64 if jax.config.jax_enable_x64 else jnp.int32)
    # nn.Embedding default init: N(0, 1)
    table = jax.random.normal(k2, (VOCAB_SIZE, EMB_SIZE), dtype=jnp.float32)
    return {"tokens": tokens, "table": table}

def reference(tokens, table):
    # TokenEmbedding.forward: embedding(tokens.long()) * sqrt(emb_size)
    emb = jnp.take(table, tokens, axis=0)
    return emb * math.sqrt(EMB_SIZE)

if __name__ == "__main__":
    import jax
    _d = setup_inputs()
    print(jax.jit(kernel)(*tuple(_d.values())))

</pallas_src>

<mosaic_0001>
#map = affine_map<(d0, d1) -> (0, 0)>
#map1 = affine_map<(d0, d1) -> (0, 0, 0)>
module attributes {stable_mosaic.version = 14 : i64} {
  func.func @k(%arg0: i32, %arg1: i32, %arg2: memref<200x4096xi32, #tpu.memory_space<hbm>>, %arg3: memref<507904x128xf32, #tpu.memory_space<hbm>>, %arg4: memref<200x64x4096xf32, #tpu.memory_space<hbm>>, %arg5: memref<200x128xi32, #tpu.memory_space<vmem>>, %arg6: memref<128xi32, #tpu.memory_space<vmem>>, %arg7: memref<128xi32, #tpu.memory_space<vmem>>, %arg8: memref<144xi32, #tpu.memory_space<vmem>>, %arg9: memref<144xi32, #tpu.memory_space<vmem>>, %arg10: memref<128x128xf32, #tpu.memory_space<vmem>>, %arg11: memref<128x128xf32, #tpu.memory_space<vmem>>, %arg12: memref<8320xf32, #tpu.memory_space<vmem>>, %arg13: memref<64x128xf32, #tpu.memory_space<vmem>>, %arg14: memref<64x128xf32, #tpu.memory_space<vmem>>, %arg15: memref<!tpu.dma_semaphore, #tpu.memory_space<semaphore_mem>>, %arg16: memref<!tpu.dma_semaphore, #tpu.memory_space<semaphore_mem>>, %arg17: memref<!tpu.dma_semaphore, #tpu.memory_space<semaphore_mem>>, %arg18: memref<!tpu.dma_semaphore, #tpu.memory_space<semaphore_mem>>) attributes {dimension_semantics = [#tpu.dimension_semantics<core_parallel>, #tpu.dimension_semantics<subcore_parallel>], iteration_bounds = array<i64: 2, 16>, scalar_prefetch = 0 : i64, scratch_operands = 14 : i64, tpu.core_type = #tpu.core_type<sc_vector_subcore>, window_params = [{transform_indices = #map}, {transform_indices = #map}, {transform_indices = #map1}]} {
    %mul3A = arith.constant 2 : i32
    %mul3A_0 = arith.muli %arg1, %mul3A : i32
    %add3A = arith.addi %mul3A_0, %arg0 : i32
    %mul3A_1 = arith.constant 128 : i32
    %mul3A_2 = arith.muli %add3A, %mul3A_1 : i32
    "tpu.region"() ({
      %run_scoped3A = tpu.sem_alloc : memref<!tpu.dma_semaphore, #tpu.memory_space<semaphore_mem>>
      %dma_start3A_287 = arith.constant 0 : i32
      %dma_start3A_288 = tpu.memref_slice %arg2[%dma_start3A_287, %mul3A_2] : memref<200x4096xi32, #tpu.memory_space<hbm>> -> memref<200x128xi32, #tpu.memory_space<hbm>>
      %dma_start3A_289 = arith.constant 0 : i32
      %dma_start3A_290 = tpu.memref_slice %arg2[%dma_start3A_289, %mul3A_2] : memref<200x4096xi32, #tpu.memory_space<hbm>> -> memref<200x128xi32, #tpu.memory_space<hbm>>
      tpu.enqueue_dma source(%dma_start3A_290 : memref<200x128xi32, #tpu.memory_space<hbm>>) target(%arg5 : memref<200x128xi32, #tpu.memory_space<vmem>>) target_semaphore(%run_scoped3A : memref<!tpu.dma_semaphore, #tpu.memory_space<semaphore_mem>>)
      %dma_wait3A_291 = arith.constant 0 : i32
      %dma_wait3A_292 = tpu.memref_slice %arg2[%dma_wait3A_291, %mul3A_2] : memref<200x4096xi32, #tpu.memory_space<hbm>> -> memref<200x128xi32, #tpu.memory_space<hbm>>
      %dma_wait3A_293 = arith.constant 0 : i32
      %dma_wait3A_294 = tpu.memref_slice %arg2[%dma_wait3A_293, %mul3A_2] : memref<200x4096xi32, #tpu.memory_space<hbm>> -> memref<200x128xi32, #tpu.memory_space<hbm>>
      tpu.wait_dma2 semaphore(%run_scoped3A : memref<!tpu.dma_semaphore, #tpu.memory_space<semaphore_mem>>) src(%dma_wait3A_294 : memref<200x128xi32, #tpu.memory_space<hbm>>) dst(%arg5 : memref<200x128xi32, #tpu.memory_space<vmem>>)
      tpu.yield
    }) : () -> ()
    %iota3A = tpu.iota {dimensions = array<i32: 0>} : vector<16xi32>
    %add3A_3 = arith.constant 0 : i32
    %add3A_4 = vector.broadcast %add3A_3 : i32 to vector<16xi32>
    %add3A_5 = arith.addi %iota3A, %add3A_4 : vector<16xi32>
    %mul3A_6 = arith.constant 65 : i32
    %mul3A_7 = vector.broadcast %mul3A_6 : i32 to vector<16xi32>
    %mul3A_8 = arith.muli %add3A_5, %mul3A_7 : vector<16xi32>
    %iota3A_9 = tpu.iota {dimensions = array<i32: 0>} : vector<16xi32>
    %add3A_10 = arith.constant 16 : i32
    %add3A_11 = vector.broadcast %add3A_10 : i32 to vector<16xi32>
    %add3A_12 = arith.addi %iota3A_9, %add3A_11 : vector<16xi32>
    %mul3A_13 = arith.constant 65 : i32
    %mul3A_14 = vector.broadcast %mul3A_13 : i32 to vector<16xi32>
    %mul3A_15 = arith.muli %add3A_12, %mul3A_14 : vector<16xi32>
    %iota3A_16 = tpu.iota {dimensions = array<i32: 0>} : vector<16xi32>
    %add3A_17 = arith.constant 32 : i32
    %add3A_18 = vector.broadcast %add3A_17 : i32 to vector<16xi32>
    %add3A_19 = arith.addi %iota3A_16, %add3A_18 : vector<16xi32>
    %mul3A_20 = arith.constant 65 : i32
    %mul3A_21 = vector.broadcast %mul3A_20 : i32 to vector<16xi32>
    %mul3A_22 = arith.muli %add3A_19, %mul3A_21 : vector<16xi32>
    %iota3A_23 = tpu.iota {dimensions = array<i32: 0>} : vector<16xi32>
    %add3A_24 = arith.constant 48 : i32
    %add3A_25 = vector.broadcast %add3A_24 : i32 to vector<16xi32>
    %add3A_26 = arith.addi %iota3A_23, %add3A_25 : vector<16xi32>
    %mul3A_27 = arith.constant 65 : i32
    %mul3A_28 = vector.broadcast %mul3A_27 : i32 to vector<16xi32>
    %mul3A_29 = arith.muli %add3A_26, %mul3A_28 : vector<16xi32>
    %iota3A_30 = tpu.iota {dimensions = array<i32: 0>} : vector<16xi32>
    %add3A_31 = arith.constant 64 : i32
    %add3A_32 = vector.broadcast %add3A_31 : i32 to vector<16xi32>
    %add3A_33 = arith.addi %iota3A_30, %add3A_32 : vector<16xi32>
    %mul3A_34 = arith.constant 65 : i32
    %mul3A_35 = vector.broadcast %mul3A_34 : i32 to vector<16xi32>
    %mul3A_36 = arith.muli %add3A_33, %mul3A_35 : vector<16xi32>
    %iota3A_37 = tpu.iota {dimensions = array<i32: 0>} : vector<16xi32>
    %add3A_38 = arith.constant 80 : i32
    %add3A_39 = vector.broadcast %add3A_38 : i32 to vector<16xi32>
    %add3A_40 = arith.addi %iota3A_37, %add3A_39 : vector<16xi32>
    %mul3A_41 = arith.constant 65 : i32
    %mul3A_42 = vector.broadcast %mul3A_41 : i32 to vector<16xi32>
    %mul3A_43 = arith.muli %add3A_40, %mul3A_42 : vector<16xi32>
    %iota3A_44 = tpu.iota {dimensions = array<i32: 0>} : vector<16xi32>
    %add3A_45 = arith.constant 96 : i32
    %add3A_46 = vector.broadcast %add3A_45 : i32 to vector<16xi32>
    %add3A_47 = arith.addi %iota3A_44, %add3A_46 : vector<16xi32>
    %mul3A_48 = arith.constant 65 : i32
    %mul3A_49 = vector.broadcast %mul3A_48 : i32 to vector<16xi32>
    %mul3A_50 = arith.muli %add3A_47, %mul3A_49 : vector<16xi32>
    %iota3A_51 = tpu.iota {dimensions = array<i32: 0>} : vector<16xi32>
    %add3A_52 = arith.constant 112 : i32
    %add3A_53 = vector.broadcast %add3A_52 : i32 to vector<16xi32>
    %add3A_54 = arith.addi %iota3A_51, %add3A_53 : vector<16xi32>
    %mul3A_55 = arith.constant 65 : i32
    %mul3A_56 = vector.broadcast %mul3A_55 : i32 to vector<16xi32>
    %mul3A_57 = arith.muli %add3A_54, %mul3A_56 : vector<16xi32>
    %get3A = arith.constant 0 : i32
    %get3A_58 = arith.index_cast %get3A : i32 to index
    %get3A_59 = arith.constant 0 : index
    %get3A_60 = tpu.vector_load %arg5[%get3A_58, %get3A_59] {strides = array<i32>} : memref<200x128xi32, #tpu.memory_space<vmem>>, vector<16xi32>,
    %shift_right_logical3A = arith.constant 14 : i32
    %shift_right_logical3A_61 = vector.broadcast %shift_right_logical3A : i32 to vector<16xi32>
    %shift_right_logical3A_62 = arith.shrui %get3A_60, %shift_right_logical3A_61 : vector<16xi32>
    %shift_left3A = arith.constant 13 : i32
    %shift_left3A_63 = vector.broadcast %shift_left3A : i32 to vector<16xi32>
    %shift_left3A_64 = arith.shli %shift_right_logical3A_62, %shift_left3A_63 : vector<16xi32>
    %and3A = arith.constant 8191 : i32
    %and3A_65 = vector.broadcast %and3A : i32 to vector<16xi32>
    %and3A_66 = arith.andi %get3A_60, %and3A_65 : vector<16xi32>
    %or3A = arith.ori %shift_left3A_64, %and3A_66 : vector<16xi32>
    %swap3A = arith.constant 0 : index
    %swap3A_67 = tpu.vector_load %arg6[%swap3A] {strides = array<i32>} : memref<128xi32, #tpu.memory_space<vmem>>, vector<16xi32>,
    tpu.vector_store %arg6[%swap3A], %or3A {strides = array<i32>} : memref<128xi32, #tpu.memory_space<vmem>>, vector<16xi32>,
    %shift_right_logical3A_68 = arith.constant 13 : i32
    %shift_right_logical3A_69 = vector.broadcast %shift_right_logical3A_68 : i32 to vector<16xi32>
    %shift_right_logical3A_70 = arith.shrui %get3A_60, %shift_right_logical3A_69 : vector<16xi32>
    %and3A_71 = arith.constant 1 : i32
    %and3A_72 = vector.broadcast %and3A_71 : i32 to vector<16xi32>
    %and3A_73 = arith.andi %shift_right_logical3A_70, %and3A_72 : vector<16xi32>
    %shift_left3A_74 = arith.constant 6 : i32
    %shift_left3A_75 = vector.broadcast %shift_left3A_74 : i32 to vector<16xi32>
    %shift_left3A_76 = arith.shli %and3A_73, %shift_left3A_75 : vector<16xi32>
    %swap3A_77 = arith.constant 0 : index
    %swap3A_78 = tpu.vector_load %arg8[%swap3A_77] {strides = array<i32>} : memref<144xi32, #tpu.memory_space<vmem>>, vector<16xi32>,
    tpu.vector_store %arg8[%swap3A_77], %shift_left3A_76 {strides = array<i32>} : memref<144xi32, #tpu.memory_space<vmem>>, vector<16xi32>,
    %get3A_79 = arith.constant 0 : i32
    %get3A_80 = arith.index_cast %get3A_79 : i32 to index
    %get3A_81 = arith.constant 16 : index
    %get3A_82 = tpu.vector_load %arg5[%get3A_80, %get3A_81] {strides = array<i32>} : memref<200x128xi32, #tpu.memory_space<vmem>>, vector<16xi32>,
    %shift_right_logical3A_83 = arith.constant 14 : i32
    %shift_right_logical3A_84 = vector.broadcast %shift_right_logical3A_83 : i32 to vector<16xi32>
    %shift_right_logical3A_85 = arith.shrui %get3A_82, %shift_right_logical3A_84 : vector<16xi32>
    %shift_left3A_86 = arith.constant 13 : i32
    %shift_left3A_87 = vector.broadcast %shift_left3A_86 : i32 to vector<16xi32>
    %shift_left3A_88 = arith.shli %shift_right_logical3A_85, %shift_left3A_87 : vector<16xi32>
    %and3A_89 = arith.constant 8191 : i32
    %and3A_90 = vector.broadcast %and3A_89 : i32 to vector<16xi32>
    %and3A_91 = arith.andi %get3A_82, %and3A_90 : vector<16xi32>
    %or3A_92 = arith.ori %shift_left3A_88, %and3A_91 : vector<16xi32>
    %swap3A_93 = arith.constant 16 : index
    %swap3A_94 = tpu.vector_load %arg6[%swap3A_93] {strides = array<i32>} : memref<128xi32, #tpu.memory_space<vmem>>, vector<16xi32>,
    tpu.vector_store %arg6[%swap3A_93], %or3A_92 {strides = array<i32>} : memref<128xi32, #tpu.memory_space<vmem>>, vector<16xi32>,
    %shift_right_logical3A_95 = arith.constant 13 : i32
    %shift_right_logical3A_96 = vector.broadcast %shift_right_logical3A_95 : i32 to vector<16xi32>
    %shift_right_logical3A_97 = arith.shrui %get3A_82, %shift_right_logical3A_96 : vector<16xi32>
    %and3A_98 = arith.constant 1 : i32
    %and3A_99 = vector.broadcast %and3A_98 : i32 to vector<16xi32>
    %and3A_100 = arith.andi %shift_right_logical3A_97, %and3A_99 : vector<16xi32>
    %shift_left3A_101 = arith.constant 6 : i32
    %shift_left3A_102 = vector.broadcast %shift_left3A_101 : i32 to vector<16xi32>
    %shift_left3A_103 = arith.shli %and3A_100, %shift_left3A_102 : vector<16xi32>
    %swap3A_104 = arith.constant 16 : index
    %swap3A_105 = tpu.vector_load %arg8[%swap3A_104] {strides = array<i32>} : memref<144xi32, #tpu.memory_space<vmem>>, vector<16xi32>,
    tpu.vector_store %arg8[%swap3A_104], %shift_left3A_103 {strides = array<i32>} : memref<144xi32, #tpu.memory_space<vmem>>, vector<16xi32>,
    %get3A_106 = arith.constant 0 : i32
    %get3A_107 = arith.index_cast %get3A_106 : i32 to index
    %get3A_108 = arith.constant 32 : index
    %get3A_109 = tpu.vector_load %arg5[%get3A_107, %get3A_108] {strides = array<i32>} : memref<200x128xi32, #tpu.memory_space<vmem>>, vector<16xi32>,
    %shift_right_logical3A_110 = arith.constant 14 : i32
    %shift_right_logical3A_111 = vector.broadcast %shift_right_logical3A_110 : i32 to vector<16xi32>
    %shift_right_logical3A_112 = arith.shrui %get3A_109, %shift_right_logical3A_111 : vector<16xi32>
    %shift_left3A_113 = arith.constant 13 : i32
    %shift_left3A_114 = vector.broadcast %shift_left3A_113 : i32 to vector<16xi32>
    %shift_left3A_115 = arith.shli %shift_right_logical3A_112, %shift_left3A_114 : vector<16xi32>
    %and3A_116 = arith.constant 8191 : i32
    %and3A_117 = vector.broadcast %and3A_116 : i32 to vector<16xi32>
    %and3A_118 = arith.andi %get3A_109, %and3A_117 : vector<16xi32>
    %or3A_119 = arith.ori %shift_left3A_115, %and3A_118 : vector<16xi32>
    %swap3A_120 = arith.constant 32 : index
    %swap3A_121 = tpu.vector_load %arg6[%swap3A_120] {strides = array<i32>} : memref<128xi32, #tpu.memory_space<vmem>>, vector<16xi32>,
    tpu.vector_store %arg6[%swap3A_120], %or3A_119 {strides = array<i32>} : memref<128xi32, #tpu.memory_space<vmem>>, vector<16xi32>,
    %shift_right_logical3A_122 = arith.constant 13 : i32
    %shift_right_logical3A_123 = vector.broadcast %shift_right_logical3A_122 : i32 to vector<16xi32>
    %shift_right_logical3A_124 = arith.shrui %get3A_109, %shift_right_logical3A_123 : vector<16xi32>
    %and3A_125 = arith.constant 1 : i32
    %and3A_126 = vector.broadcast %and3A_125 : i32 to vector<16xi32>
    %and3A_127 = arith.andi %shift_right_logical3A_124, %and3A_126 : vector<16xi32>
    %shift_left3A_128 = arith.constant 6 : i32
    %shift_left3A_129 = vector.broadcast %shift_left3A_128 : i32 to vector<16xi32>
    %shift_left3A_130 = arith.shli %and3A_127, %shift_left3A_129 : vector<16xi32>
    %swap3A_131 = arith.constant 32 : index
    %swap3A_132 = tpu.vector_load %arg8[%swap3A_131] {strides = array<i32>} : memref<144xi32, #tpu.memory_space<vmem>>, vector<16xi32>,
    tpu.vector_store %arg8[%swap3A_131], %shift_left3A_130 {strides = array<i32>} : memref<144xi32, #tpu.memory_space<vmem>>, vector<16xi32>,
    %get3A_133 = arith.constant 0 : i32
    %get3A_134 = arith.index_cast %get3A_133 : i32 to index
    %get3A_135 = arith.constant 48 : index
    %get3A_136 = tpu.vector_load %arg5[%get3A_134, %get3A_135] {strides = array<i32>} : memref<200x128xi32, #tpu.memory_space<vmem>>, vector<16xi32>,
    %shift_right_logical3A_137 = arith.constant 14 : i32
    %shift_right_logical3A_138 = vector.broadcast %shift_right_logical3A_137 : i32 to vector<16xi32>
    %shift_right_logical3A_139 = arith.shrui %get3A_136, %shift_right_logical3A_138 : vector<16xi32>
    %shift_left3A_140 = arith.constant 13 : i32
    %shift_left3A_141 = vector.broadcast %shift_left3A_140 : i32 to vector<16xi32>
    %shift_left3A_142 = arith.shli %shift_right_logical3A_139, %shift_left3A_141 : vector<16xi32>
    %and3A_143 = arith.constant 8191 : i32
    %and3A_144 = vector.broadcast %and3A_143 : i32 to vector<16xi32>
    %and3A_145 = arith.andi %get3A_136, %and3A_144 : vector<16xi32>
    %or3A_146 = arith.ori %shift_left3A_142, %and3A_145 : vector<16xi32>
    %swap3A_147 = arith.constant 48 : index
    %swap3A_148 = tpu.vector_load %arg6[%swap3A_147] {strides = array<i32>} : memref<128xi32, #tpu.memory_space<vmem>>, vector<16xi32>,
    tpu.vector_store %arg6[%swap3A_147], %or3A_146 {strides = array<i32>} : memref<128xi32, #tpu.memory_space<vmem>>, vector<16xi32>,
    %shift_right_logical3A_149 = arith.constant 13 : i32
    %shift_right_logical3A_150 = vector.broadcast %shift_right_logical3A_149 : i32 to vector<16xi32>
    %shift_right_logical3A_151 = arith.shrui %get3A_136, %shift_right_logical3A_150 : vector<16xi32>
    %and3A_152 = arith.constant 1 : i32
    %and3A_153 = vector.broadcast %and3A_152 : i32 to vector<16xi32>
    %and3A_154 = arith.andi %shift_right_logical3A_151, %and3A_153 : vector<16xi32>
    %shift_left3A_155 = arith.constant 6 : i32
    %shift_left3A_156 = vector.broadcast %shift_left3A_155 : i32 to vector<16xi32>
    %shift_left3A_157 = arith.shli %and3A_154, %shift_left3A_156 : vector<16xi32>
    %swap3A_158 = arith.constant 48 : index
    %swap3A_159 = tpu.vector_load %arg8[%swap3A_158] {strides = array<i32>} : memref<144xi32, #tpu.memory_space<vmem>>, vector<16xi32>,
    tpu.vector_store %arg8[%swap3A_158], %shift_left3A_157 {strides = array<i32>} : memref<144xi32, #tpu.memory_space<vmem>>, vector<16xi32>,
    %get3A_160 = arith.constant 0 : i32
    %get3A_161 = arith.index_cast %get3A_160 : i32 to index
    %get3A_162 = arith.constant 64 : index
    %get3A_163 = tpu.vector_load %arg5[%get3A_161, %get3A_162] {strides = array<i32>} : memref<200x128xi32, #tpu.memory_space<vmem>>, vector<16xi32>,
    %shift_right_logical3A_164 = arith.constant 14 : i32
    %shift_right_logical3A_165 = vector.broadcast %shift_right_logical3A_164 : i32 to vector<16xi32>
    %shift_right_logical3A_166 = arith.shrui %get3A_163, %shift_right_logical3A_165 : vector<16xi32>
    %shift_left3A_167 = arith.constant 13 : i32
    %shift_left3A_168 = vector.broadcast %shift_left3A_167 : i32 to vector<16xi32>
    %shift_left3A_169 = arith.shli %shift_right_logical3A_166, %shift_left3A_168 : vector<16xi32>
    %and3A_170 = arith.constant 8191 : i32
    %and3A_171 = vector.broadcast %and3A_170 : i32 to vector<16xi32>
    %and3A_172 = arith.andi %get3A_163, %and3A_171 : vector<16xi32>
    %or3A_173 = arith.ori %shift_left3A_169, %and3A_172 : vector<16xi32>
    %swap3A_174 = arith.constant 64 : index
    %swap3A_175 = tpu.vector_load %arg6[%swap3A_174] {strides = array<i32>} : memref<128xi32, #tpu.memory_space<vmem>>, vector<16xi32>,
    tpu.vector_store %arg6[%swap3A_174], %or3A_173 {strides = array<i32>} : memref<128xi32, #tpu.memory_space<vmem>>, vector<16xi32>,
    %shift_right_logical3A_176 = arith.constant 13 : i32
    %shift_right_logical3A_177 = vector.broadcast %shift_right_logical3A_176 : i32 to vector<16xi32>
    %shift_right_logical3A_178 = arith.shrui %get3A_163, %shift_right_logical3A_177 : vector<16xi32>
    %and3A_179 = arith.constant 1 : i32
    %and3A_180 = vector.broadcast %and3A_179 : i32 to vector<16xi32>
    %and3A_181 = arith.andi %shift_right_logical3A_178, %and3A_180 : vector<16xi32>
    %shift_left3A_182 = arith.constant 6 : i32
    %shift_left3A_183 = vector.broadcast %shift_left3A_182 : i32 to vector<16xi32>
    %shift_left3A_184 = arith.shli %and3A_181, %shift_left3A_183 : vector<16xi32>
    %swap3A_185 = arith.constant 64 : index
    %swap3A_186 = tpu.vector_load %arg8[%swap3A_185] {strides = array<i32>} : memref<144xi32, #tpu.memory_space<vmem>>, vector<16xi32>,
    tpu.vector_store %arg8[%swap3A_185], %shift_left3A_184 {strides = array<i32>} : memref<144xi32, #tpu.memory_space<vmem>>, vector<16xi32>,
    %get3A_187 = arith.constant 0 : i32
    %get3A_188 = arith.index_cast %get3A_187 : i32 to index
    %get3A_189 = arith.constant 80 : index
    %get3A_190 = tpu.vector_load %arg5[%get3A_188, %get3A_189] {strides = array<i32>} : memref<200x128xi32, #tpu.memory_space<vmem>>, vector<16xi32>,
    %shift_right_logical3A_191 = arith.constant 14 : i32
    %shift_right_logical3A_192 = vector.broadcast %shift_right_logical3A_191 : i32 to vector<16xi32>
    %shift_right_logical3A_193 = arith.shrui %get3A_190, %shift_right_logical3A_192 : vector<16xi32>
    %shift_left3A_194 = arith.constant 13 : i32
    %shift_left3A_195 = vector.broadcast %shift_left3A_194 : i32 to vector<16xi32>
    %shift_left3A_196 = arith.shli %shift_right_logical3A_193, %shift_left3A_195 : vector<16xi32>
    %and3A_197 = arith.constant 8191 : i32
    %and3A_198 = vector.broadcast %and3A_197 : i32 to vector<16xi32>
    %and3A_199 = arith.andi %get3A_190, %and3A_198 : vector<16xi32>
    %or3A_200 = arith.ori %shift_left3A_196, %and3A_199 : vector<16xi32>
    %swap3A_201 = arith.constant 80 : index
    %swap3A_202 = tpu.vector_load %arg6[%swap3A_201] {strides = array<i32>} : memref<128xi32, #tpu.memory_space<vmem>>, vector<16xi32>,
    tpu.vector_store %arg6[%swap3A_201], %or3A_200 {strides = array<i32>} : memref<128xi32, #tpu.memory_space<vmem>>, vector<16xi32>,
    %shift_right_logical3A_203 = arith.constant 13 : i32
    %shift_right_logical3A_204 = vector.broadcast %shift_right_logical3A_203 : i32 to vector<16xi32>
    %shift_right_logical3A_205 = arith.shrui %get3A_190, %shift_right_logical3A_204 : vector<16xi32>
    %and3A_206 = arith.constant 1 : i32
    %and3A_207 = vector.broadcast %and3A_206 : i32 to vector<16xi32>
    %and3A_208 = arith.andi %shift_right_logical3A_205, %and3A_207 : vector<16xi32>
    %shift_left3A_209 = arith.constant 6 : i32
    %shift_left3A_210 = vector.broadcast %shift_left3A_209 : i32 to vector<16xi32>
    %shift_left3A_211 = arith.shli %and3A_208, %shift_left3A_210 : vector<16xi32>
    %swap3A_212 = arith.constant 80 : index
    %swap3A_213 = tpu.vector_load %arg8[%swap3A_212] {strides = array<i32>} : memref<144xi32, #tpu.memory_space<vmem>>, vector<16xi32>,
    tpu.vector_store %arg8[%swap3A_212], %shift_left3A_211 {strides = array<i32>} : memref<144xi32, #tpu.memory_space<vmem>>, vector<16xi32>,
    %get3A_214 = arith.constant 0 : i32
    %get3A_215 = arith.index_cast %get3A_214 : i32 to index
    %get3A_216 = arith.constant 96 : index
    %get3A_217 = tpu.vector_load %arg5[%get3A_215, %get3A_216] {strides = array<i32>} : memref<200x128xi32, #tpu.memory_space<vmem>>, vector<16xi32>,
    %shift_right_logical3A_218 = arith.constant 14 : i32
    %shift_right_logical3A_219 = vector.broadcast %shift_right_logical3A_218 : i32 to vector<16xi32>
    %shift_right_logical3A_220 = arith.shrui %get3A_217, %shift_right_logical3A_219 : vector<16xi32>
    %shift_left3A_221 = arith.constant 13 : i32
    %shift_left3A_222 = vector.broadcast %shift_left3A_221 : i32 to vector<16xi32>
    %shift_left3A_223 = arith.shli %shift_right_logical3A_220, %shift_left3A_222 : vector<16xi32>
    %and3A_224 = arith.constant 8191 : i32
    %and3A_225 = vector.broadcast %and3A_224 : i32 to vector<16xi32>
    %and3A_226 = arith.andi %get3A_217, %and3A_225 : vector<16xi32>
    %or3A_227 = arith.ori %shift_left3A_223, %and3A_226 : vector<16xi32>
    %swap3A_228 = arith.constant 96 : index
    %swap3A_229 = tpu.vector_load %arg6[%swap3A_228] {strides = array<i32>} : memref<128xi32, #tpu.memory_space<vmem>>, vector<16xi32>,
    tpu.vector_store %arg6[%swap3A_228], %or3A_227 {strides = array<i32>} : memref<128xi32, #tpu.memory_space<vmem>>, vector<16xi32>,
    %shift_right_logical3A_230 = arith.constant 13 : i32
    %shift_right_logical3A_231 = vector.broadcast %shift_right_logical3A_230 : i32 to vector<16xi32>
    %shift_right_logical3A_232 = arith.shrui %get3A_217, %shift_right_logical3A_231 : vector<16xi32>
    %and3A_233 = arith.constant 1 : i32
    %and3A_234 = vector.broadcast %and3A_233 : i32 to vector<16xi32>
    %and3A_235 = arith.andi %shift_right_logical3A_232, %and3A_234 : vector<16xi32>
    %shift_left3A_236 = arith.constant 6 : i32
    %shift_left3A_237 = vector.broadcast %shift_left3A_236 : i32 to vector<16xi32>
    %shift_left3A_238 = arith.shli %and3A_235, %shift_left3A_237 : vector<16xi32>
    %swap3A_239 = arith.constant 96 : index
    %swap3A_240 = tpu.vector_load %arg8[%swap3A_239] {strides = array<i32>} : memref<144xi32, #tpu.memory_space<vmem>>, vector<16xi32>,
    tpu.vector_store %arg8[%swap3A_239], %shift_left3A_238 {strides = array<i32>} : memref<144xi32, #tpu.memory_space<vmem>>, vector<16xi32>,
    %get3A_241 = arith.constant 0 : i32
    %get3A_242 = arith.index_cast %get3A_241 : i32 to index
    %get3A_243 = arith.constant 112 : index
    %get3A_244 = tpu.vector_load %arg5[%get3A_242, %get3A_243] {strides = array<i32>} : memref<200x128xi32, #tpu.memory_space<vmem>>, vector<16xi32>,
    %shift_right_logical3A_245 = arith.constant 14 : i32
    %shift_right_logical3A_246 = vector.broadcast %shift_right_logical3A_245 : i32 to vector<16xi32>
    %shift_right_logical3A_247 = arith.shrui %get3A_244, %shift_right_logical3A_246 : vector<16xi32>
    %shift_left3A_248 = arith.constant 13 : i32
    %shift_left3A_249 = vector.broadcast %shift_left3A_248 : i32 to vector<16xi32>
    %shift_left3A_250 = arith.shli %shift_right_logical3A_247, %shift_left3A_249 : vector<16xi32>
    %and3A_251 = arith.constant 8191 : i32
    %and3A_252 = vector.broadcast %and3A_251 : i32 to vector<16xi32>
    %and3A_253 = arith.andi %get3A_244, %and3A_252 : vector<16xi32>
    %or3A_254 = arith.ori %shift_left3A_250, %and3A_253 : vector<16xi32>
    %swap3A_255 = arith.constant 112 : index
    %swap3A_256 = tpu.vector_load %arg6[%swap3A_255] {strides = array<i32>} : memref<128xi32, #tpu.memory_space<vmem>>, vector<16xi32>,
    tpu.vector_store %arg6[%swap3A_255], %or3A_254 {strides = array<i32>} : memref<128xi32, #tpu.memory_space<vmem>>, vector<16xi32>,
    %shift_right_logical3A_257 = arith.constant 13 : i32
    %shift_right_logical3A_258 = vector.broadcast %shift_right_logical3A_257 : i32 to vector<16xi32>
    %shift_right_logical3A_259 = arith.shrui %get3A_244, %shift_right_logical3A_258 : vector<16xi32>
    %and3A_260 = arith.constant 1 : i32
    %and3A_261 = vector.broadcast %and3A_260 : i32 to vector<16xi32>
    %and3A_262 = arith.andi %shift_right_logical3A_259, %and3A_261 : vector<16xi32>
    %shift_left3A_263 = arith.constant 6 : i32
    %shift_left3A_264 = vector.broadcast %shift_left3A_263 : i32 to vector<16xi32>
    %shift_left3A_265 = arith.shli %and3A_262, %shift_left3A_264 : vector<16xi32>
    %swap3A_266 = arith.constant 112 : index
    %swap3A_267 = tpu.vector_load %arg8[%swap3A_266] {strides = array<i32>} : memref<144xi32, #tpu.memory_space<vmem>>, vector<16xi32>,
    tpu.vector_store %arg8[%swap3A_266], %shift_left3A_265 {strides = array<i32>} : memref<144xi32, #tpu.memory_space<vmem>>, vector<16xi32>,
    %dma_start3A = arith.constant 0 : i32
    %dma_start3A_268 = arith.constant 0 : i32
    %dma_start3A_269 = tpu.memref_slice %arg3[%dma_start3A, %dma_start3A_268] : memref<507904x128xf32, #tpu.memory_space<hbm>> -> memref<507904x128xf32, #tpu.memory_space<hbm>>
    tpu.enqueue_indirect_dma source(%dma_start3A_269 : memref<507904x128xf32, #tpu.memory_space<hbm>>) target(%arg10 : memref<128x128xf32, #tpu.memory_space<vmem>>) offsets(%arg6 : memref<128xi32, #tpu.memory_space<vmem>>) semaphore(%arg15 : memref<!tpu.dma_semaphore, #tpu.memory_space<semaphore_mem>>)
    %scan3A = arith.constant 0 : i32
    %scan3A_270 = arith.constant 100 : i32
    %scan3A_271 = arith.addi %scan3A, %scan3A_270 : i32
    %scan3A_272 = arith.constant 1 : i32
    scf.for %scan3A_287 = %scan3A to %scan3A_271 step %scan3A_272  : i32 {
      %mul3A_288 = arith.constant 1 : i32
      %mul3A_289 = arith.muli %scan3A_287, %mul3A_288 : i32
      %add3A_290 = arith.constant 0 : i32
      %add3A_291 = arith.addi %add3A_290, %mul3A_289 : i32
      %mul3A_292 = arith.constant 2 : i32
      %mul3A_293 = arith.muli %add3A_291, %mul3A_292 : i32
      %add3A_294 = arith.constant 0 : i32
      %add3A_295 = arith.addi %mul3A_293, %add3A_294 : i32
      %add3A_296 = arith.constant 1 : i32
      %add3A_297 = arith.addi %add3A_295, %add3A_296 : i32
      %lt3A = arith.constant 200 : i32
      %lt3A_298 = arith.cmpi slt, %add3A_297, %lt3A : i32
      %convert_element_type3A = arith.extui %lt3A_298 : i1 to i32
      %cond3A = arith.constant 0 : i32
      %cond3A_299 = arith.cmpi ne, %convert_element_type3A, %cond3A : i32
      scf.if %cond3A_299 {
        %add3A_349 = arith.constant 1 : i32
        %add3A_350 = arith.addi %add3A_295, %add3A_349 : i32
        %get3A_351 = arith.index_cast %add3A_350 : i32 to index
        %get3A_352 = arith.constant 0 : index
        %get3A_353 = tpu.vector_load %arg5[%get3A_351, %get3A_352] {strides = array<i32>} : memref<200x128xi32, #tpu.memory_space<vmem>>, vector<16xi32>,
        %shift_right_logical3A_354 = arith.constant 14 : i32
        %shift_right_logical3A_355 = vector.broadcast %shift_right_logical3A_354 : i32 to vector<16xi32>
        %shift_right_logical3A_356 = arith.shrui %get3A_353, %shift_right_logical3A_355 : vector<16xi32>
        %shift_left3A_357 = arith.constant 13 : i32
        %shift_left3A_358 = vector.broadcast %shift_left3A_357 : i32 to vector<16xi32>
        %shift_left3A_359 = arith.shli %shift_right_logical3A_356, %shift_left3A_358 : vector<16xi32>
        %and3A_360 = arith.constant 8191 : i32
        %and3A_361 = vector.broadcast %and3A_360 : i32 to vector<16xi32>
        %and3A_362 = arith.andi %get3A_353, %and3A_361 : vector<16xi32>
        %or3A_363 = arith.ori %shift_left3A_359, %and3A_362 : vector<16xi32>
        %swap3A_364 = arith.constant 0 : index
        %swap3A_365 = tpu.vector_load %arg7[%swap3A_364] {strides = array<i32>} : memref<128xi32, #tpu.memory_space<vmem>>, vector<16xi32>,
        tpu.vector_store %arg7[%swap3A_364], %or3A_363 {strides = array<i32>} : memref<128xi32, #tpu.memory_space<vmem>>, vector<16xi32>,
        %shift_right_logical3A_366 = arith.constant 13 : i32
        %shift_right_logical3A_367 = vector.broadcast %shift_right_logical3A_366 : i32 to vector<16xi32>
        %shift_right_logical3A_368 = arith.shrui %get3A_353, %shift_right_logical3A_367 : vector<16xi32>
        %and3A_369 = arith.constant 1 : i32
        %and3A_370 = vector.broadcast %and3A_369 : i32 to vector<16xi32>
        %and3A_371 = arith.andi %shift_right_logical3A_368, %and3A_370 : vector<16xi32>
        %shift_left3A_372 = arith.constant 6 : i32
        %shift_left3A_373 = vector.broadcast %shift_left3A_372 : i32 to vector<16xi32>
        %shift_left3A_374 = arith.shli %and3A_371, %shift_left3A_373 : vector<16xi32>
        %swap3A_375 = arith.constant 0 : index
        %swap3A_376 = tpu.vector_load %arg9[%swap3A_375] {strides = array<i32>} : memref<144xi32, #tpu.memory_space<vmem>>, vector<16xi32>,
        tpu.vector_store %arg9[%swap3A_375], %shift_left3A_374 {strides = array<i32>} : memref<144xi32, #tpu.memory_space<vmem>>, vector<16xi32>,
        %get3A_377 = arith.index_cast %add3A_350 : i32 to index
        %get3A_378 = arith.constant 16 : index
        %get3A_379 = tpu.vector_load %arg5[%get3A_377, %get3A_378] {strides = array<i32>} : memref<200x128xi32, #tpu.memory_space<vmem>>, vector<16xi32>,
        %shift_right_logical3A_380 = arith.constant 14 : i32
        %shift_right_logical3A_381 = vector.broadcast %shift_right_logical3A_380 : i32 to vector<16xi32>
        %shift_right_logical3A_382 = arith.shrui %get3A_379, %shift_right_logical3A_381 : vector<16xi32>
        %shift_left3A_383 = arith.constant 13 : i32
        %shift_left3A_384 = vector.broadcast %shift_left3A_383 : i32 to vector<16xi32>
        %shift_left3A_385 = arith.shli %shift_right_logical3A_382, %shift_left3A_384 : vector<16xi32>
        %and3A_386 = arith.constant 8191 : i32
        %and3A_387 = vector.broadcast %and3A_386 : i32 to vector<16xi32>
        %and3A_388 = arith.andi %get3A_379, %and3A_387 : vector<16xi32>
        %or3A_389 = arith.ori %shift_left3A_385, %and3A_388 : vector<16xi32>
        %swap3A_390 = arith.constant 16 : index
        %swap3A_391 = tpu.vector_load %arg7[%swap3A_390] {strides = array<i32>} : memref<128xi32, #tpu.memory_space<vmem>>, vector<16xi32>,
        tpu.vector_store %arg7[%swap3A_390], %or3A_389 {strides = array<i32>} : memref<128xi32, #tpu.memory_space<vmem>>, vector<16xi32>,
        %shift_right_logical3A_392 = arith.constant 13 : i32
        %shift_right_logical3A_393 = vector.broadcast %shift_right_logical3A_392 : i32 to vector<16xi32>
        %shift_right_logical3A_394 = arith.shrui %get3A_379, %shift_right_logical3A_393 : vector<16xi32>
        %and3A_395 = arith.constant 1 : i32
        %and3A_396 = vector.broadcast %and3A_395 : i32 to vector<16xi32>
        %and3A_397 = arith.andi %shift_right_logical3A_394, %and3A_396 : vector<16xi32>
        %shift_left3A_398 = arith.constant 6 : i32
        %shift_left3A_399 = vector.broadcast %shift_left3A_398 : i32 to vector<16xi32>
        %shift_left3A_400 = arith.shli %and3A_397, %shift_left3A_399 : vector<16xi32>
        %swap3A_401 = arith.constant 16 : index
        %swap3A_402 = tpu.vector_load %arg9[%swap3A_401] {strides = array<i32>} : memref<144xi32, #tpu.memory_space<vmem>>, vector<16xi32>,
        tpu.vector_store %arg9[%swap3A_401], %shift_left3A_400 {strides = array<i32>} : memref<144xi32, #tpu.memory_space<vmem>>, vector<16xi32>,
        %get3A_403 = arith.index_cast %add3A_350 : i32 to index
        %get3A_404 = arith.constant 32 : index
        %get3A_405 = tpu.vector_load %arg5[%get3A_403, %get3A_404] {strides = array<i32>} : memref<200x128xi32, #tpu.memory_space<vmem>>, vector<16xi32>,
        %shift_right_logical3A_406 = arith.constant 14 : i32
        %shift_right_logical3A_407 = vector.broadcast %shift_right_logical3A_406 : i32 to vector<16xi32>
        %shift_right_logical3A_408 = arith.shrui %get3A_405, %shift_right_logical3A_407 : vector<16xi32>
        %shift_left3A_409 = arith.constant 13 : i32
        %shift_left3A_410 = vector.broadcast %shift_left3A_409 : i32 to vector<16xi32>
        %shift_left3A_411 = arith.shli %shift_right_logical3A_408, %shift_left3A_410 : vector<16xi32>
        %and3A_412 = arith.constant 8191 : i32
        %and3A_413 = vector.broadcast %and3A_412 : i32 to vector<16xi32>
        %and3A_414 = arith.andi %get3A_405, %and3A_413 : vector<16xi32>
        %or3A_415 = arith.ori %shift_left3A_411, %and3A_414 : vector<16xi32>
        %swap3A_416 = arith.constant 32 : index
        %swap3A_417 = tpu.vector_load %arg7[%swap3A_416] {strides = array<i32>} : memref<128xi32, #tpu.memory_space<vmem>>, vector<16xi32>,
        tpu.vector_store %arg7[%swap3A_416], %or3A_415 {strides = array<i32>} : memref<128xi32, #tpu.memory_space<vmem>>, vector<16xi32>,
        %shift_right_logical3A_418 = arith.constant 13 : i32
        %shift_right_logical3A_419 = vector.broadcast %shift_right_logical3A_418 : i32 to vector<16xi32>
        %shift_right_logical3A_420 = arith.shrui %get3A_405, %shift_right_logical3A_419 : vector<16xi32>
        %and3A_421 = arith.constant 1 : i32
        %and3A_422 = vector.broadcast %and3A_421 : i32 to vector<16xi32>
        %and3A_423 = arith.andi %shift_right_logical3A_420, %and3A_422 : vector<16xi32>
        %shift_left3A_424 = arith.constant 6 : i32
        %shift_left3A_425 = vector.broadcast %shift_left3A_424 : i32 to vector<16xi32>
        %shift_left3A_426 = arith.shli %and3A_423, %shift_left3A_425 : vector<16xi32>
        %swap3A_427 = arith.constant 32 : index
        %swap3A_428 = tpu.vector_load %arg9[%swap3A_427] {strides = array<i32>} : memref<144xi32, #tpu.memory_space<vmem>>, vector<16xi32>,
        tpu.vector_store %arg9[%swap3A_427], %shift_left3A_426 {strides = array<i32>} : memref<144xi32, #tpu.memory_space<vmem>>, vector<16xi32>,
        %get3A_429 = arith.index_cast %add3A_350 : i32 to index
        %get3A_430 = arith.constant 48 : index
        %get3A_431 = tpu.vector_load %arg5[%get3A_429, %get3A_430] {strides = array<i32>} : memref<200x128xi32, #tpu.memory_space<vmem>>, vector<16xi32>,
        %shift_right_logical3A_432 = arith.constant 14 : i32
        %shift_right_logical3A_433 = vector.broadcast %shift_right_logical3A_432 : i32 to vector<16xi32>
        %shift_right_logical3A_434 = arith.shrui %get3A_431, %shift_right_logical3A_433 : vector<16xi32>
        %shift_left3A_435 = arith.constant 13 : i32
        %shift_left3A_436 = vector.broadcast %shift_left3A_435 : i32 to vector<16xi32>
        %shift_left3A_437 = arith.shli %shift_right_logical3A_434, %shift_left3A_436 : vector<16xi32>
        %and3A_438 = arith.constant 8191 : i32
        %and3A_439 = vector.broadcast %and3A_438 : i32 to vector<16xi32>
        %and3A_440 = arith.andi %get3A_431, %and3A_439 : vector<16xi32>
        %or3A_441 = arith.ori %shift_left3A_437, %and3A_440 : vector<16xi32>
        %swap3A_442 = arith.constant 48 : index
        %swap3A_443 = tpu.vector_load %arg7[%swap3A_442] {strides = array<i32>} : memref<128xi32, #tpu.memory_space<vmem>>, vector<16xi32>,
        tpu.vector_store %arg7[%swap3A_442], %or3A_441 {strides = array<i32>} : memref<128xi32, #tpu.memory_space<vmem>>, vector<16xi32>,
        %shift_right_logical3A_444 = arith.constant 13 : i32
        %shift_right_logical3A_445 = vector.broadcast %shift_right_logical3A_444 : i32 to vector<16xi32>
        %shift_right_logical3A_446 = arith.shrui %get3A_431, %shift_right_logical3A_445 : vector<16xi32>
        %and3A_447 = arith.constant 1 : i32
        %and3A_448 = vector.broadcast %and3A_447 : i32 to vector<16xi32>
        %and3A_449 = arith.andi %shift_right_logical3A_446, %and3A_448 : vector<16xi32>
        %shift_left3A_450 = arith.constant 6 : i32
        %shift_left3A_451 = vector.broadcast %shift_left3A_450 : i32 to vector<16xi32>
        %shift_left3A_452 = arith.shli %and3A_449, %shift_left3A_451 : vector<16xi32>
        %swap3A_453 = arith.constant 48 : index
        %swap3A_454 = tpu.vector_load %arg9[%swap3A_453] {strides = array<i32>} : memref<144xi32, #tpu.memory_space<vmem>>, vector<16xi32>,
        tpu.vector_store %arg9[%swap3A_453], %shift_left3A_452 {strides = array<i32>} : memref<144xi32, #tpu.memory_space<vmem>>, vector<16xi32>,
        %get3A_455 = arith.index_cast %add3A_350 : i32 to index
        %get3A_456 = arith.constant 64 : index
        %get3A_457 = tpu.vector_load %arg5[%get3A_455, %get3A_456] {strides = array<i32>} : memref<200x128xi32, #tpu.memory_space<vmem>>, vector<16xi32>,
        %shift_right_logical3A_458 = arith.constant 14 : i32
        %shift_right_logical3A_459 = vector.broadcast %shift_right_logical3A_458 : i32 to vector<16xi32>
        %shift_right_logical3A_460 = arith.shrui %get3A_457, %shift_right_logical3A_459 : vector<16xi32>
        %shift_left3A_461 = arith.constant 13 : i32
        %shift_left3A_462 = vector.broadcast %shift_left3A_461 : i32 to vector<16xi32>
        %shift_left3A_463 = arith.shli %shift_right_logical3A_460, %shift_left3A_462 : vector<16xi32>
        %and3A_464 = arith.constant 8191 : i32
        %and3A_465 = vector.broadcast %and3A_464 : i32 to vector<16xi32>
        %and3A_466 = arith.andi %get3A_457, %and3A_465 : vector<16xi32>
        %or3A_467 = arith.ori %shift_left3A_463, %and3A_466 : vector<16xi32>
        %swap3A_468 = arith.constant 64 : index
        %swap3A_469 = tpu.vector_load %arg7[%swap3A_468] {strides = array<i32>} : memref<128xi32, #tpu.memory_space<vmem>>, vector<16xi32>,
        tpu.vector_store %arg7[%swap3A_468], %or3A_467 {strides = array<i32>} : memref<128xi32, #tpu.memory_space<vmem>>, vector<16xi32>,
        %shift_right_logical3A_470 = arith.constant 13 : i32
        %shift_right_logical3A_471 = vector.broadcast %shift_right_logical3A_470 : i32 to vector<16xi32>
        %shift_right_logical3A_472 = arith.shrui %get3A_457, %shift_right_logical3A_471 : vector<16xi32>
        %and3A_473 = arith.constant 1 : i32
        %and3A_474 = vector.broadcast %and3A_473 : i32 to vector<16xi32>
        %and3A_475 = arith.andi %shift_right_logical3A_472, %and3A_474 : vector<16xi32>
        %shift_left3A_476 = arith.constant 6 : i32
        %shift_left3A_477 = vector.broadcast %shift_left3A_476 : i32 to vector<16xi32>
        %shift_left3A_478 = arith.shli %and3A_475, %shift_left3A_477 : vector<16xi32>
        %swap3A_479 = arith.constant 64 : index
        %swap3A_480 = tpu.vector_load %arg9[%swap3A_479] {strides = array<i32>} : memref<144xi32, #tpu.memory_space<vmem>>, vector<16xi32>,
        tpu.vector_store %arg9[%swap3A_479], %shift_left3A_478 {strides = array<i32>} : memref<144xi32, #tpu.memory_space<vmem>>, vector<16xi32>,
        %get3A_481 = arith.index_cast %add3A_350 : i32 to index
        %get3A_482 = arith.constant 80 : index
        %get3A_483 = tpu.vector_load %arg5[%get3A_481, %get3A_482] {strides = array<i32>} : memref<200x128xi32, #tpu.memory_space<vmem>>, vector<16xi32>,
        %shift_right_logical3A_484 = arith.constant 14 : i32
        %shift_right_logical3A_485 = vector.broadcast %shift_right_logical3A_484 : i32 to vector<16xi32>
        %shift_right_logical3A_486 = arith.shrui %get3A_483, %shift_right_logical3A_485 : vector<16xi32>
        %shift_left3A_487 = arith.constant 13 : i32
        %shift_left3A_488 = vector.broadcast %shift_left3A_487 : i32 to vector<16xi32>
        %shift_left3A_489 = arith.shli %shift_right_logical3A_486, %shift_left3A_488 : vector<16xi32>
        %and3A_490 = arith.constant 8191 : i32
        %and3A_491 = vector.broadcast %and3A_490 : i32 to vector<16xi32>
        %and3A_492 = arith.andi %get3A_483, %and3A_491 : vector<16xi32>
        %or3A_493 = arith.ori %shift_left3A_489, %and3A_492 : vector<16xi32>
        %swap3A_494 = arith.constant 80 : index
        %swap3A_495 = tpu.vector_load %arg7[%swap3A_494] {strides = array<i32>} : memref<128xi32, #tpu.memory_space<vmem>>, vector<16xi32>,
        tpu.vector_store %arg7[%swap3A_494], %or3A_493 {strides = array<i32>} : memref<128xi32, #tpu.memory_space<vmem>>, vector<16xi32>,
        %shift_right_logical3A_496 = arith.constant 13 : i32
        %shift_right_logical3A_497 = vector.broadcast %shift_right_logical3A_496 : i32 to vector<16xi32>
        %shift_right_logical3A_498 = arith.shrui %get3A_483, %shift_right_logical3A_497 : vector<16xi32>
        %and3A_499 = arith.constant 1 : i32
        %and3A_500 = vector.broadcast %and3A_499 : i32 to vector<16xi32>
        %and3A_501 = arith.andi %shift_right_logical3A_498, %and3A_500 : vector<16xi32>
        %shift_left3A_502 = arith.constant 6 : i32
        %shift_left3A_503 = vector.broadcast %shift_left3A_502 : i32 to vector<16xi32>
        %shift_left3A_504 = arith.shli %and3A_501, %shift_left3A_503 : vector<16xi32>
        %swap3A_505 = arith.constant 80 : index
        %swap3A_506 = tpu.vector_load %arg9[%swap3A_505] {strides = array<i32>} : memref<144xi32, #tpu.memory_space<vmem>>, vector<16xi32>,
        tpu.vector_store %arg9[%swap3A_505], %shift_left3A_504 {strides = array<i32>} : memref<144xi32, #tpu.memory_space<vmem>>, vector<16xi32>,
        %get3A_507 = arith.index_cast %add3A_350 : i32 to index
        %get3A_508 = arith.constant 96 : index
        %get3A_509 = tpu.vector_load %arg5[%get3A_507, %get3A_508] {strides = array<i32>} : memref<200x128xi32, #tpu.memory_space<vmem>>, vector<16xi32>,
        %shift_right_logical3A_510 = arith.constant 14 : i32
        %shift_right_logical3A_511 = vector.broadcast %shift_right_logical3A_510 : i32 to vector<16xi32>
        %shift_right_logical3A_512 = arith.shrui %get3A_509, %shift_right_logical3A_511 : vector<16xi32>
        %shift_left3A_513 = arith.constant 13 : i32
        %shift_left3A_514 = vector.broadcast %shift_left3A_513 : i32 to vector<16xi32>
        %shift_left3A_515 = arith.shli %shift_right_logical3A_512, %shift_left3A_514 : vector<16xi32>
        %and3A_516 = arith.constant 8191 : i32
        %and3A_517 = vector.broadcast %and3A_516 : i32 to vector<16xi32>
        %and3A_518 = arith.andi %get3A_509, %and3A_517 : vector<16xi32>
        %or3A_519 = arith.ori %shift_left3A_515, %and3A_518 : vector<16xi32>
        %swap3A_520 = arith.constant 96 : index
        %swap3A_521 = tpu.vector_load %arg7[%swap3A_520] {strides = array<i32>} : memref<128xi32, #tpu.memory_space<vmem>>, vector<16xi32>,
        tpu.vector_store %arg7[%swap3A_520], %or3A_519 {strides = array<i32>} : memref<128xi32, #tpu.memory_space<vmem>>, vector<16xi32>,
        %shift_right_logical3A_522 = arith.constant 13 : i32
        %shift_right_logical3A_523 = vector.broadcast %shift_right_logical3A_522 : i32 to vector<16xi32>
        %shift_right_logical3A_524 = arith.shrui %get3A_509, %shift_right_logical3A_523 : vector<16xi32>
        %and3A_525 = arith.constant 1 : i32
        %and3A_526 = vector.broadcast %and3A_525 : i32 to vector<16xi32>
        %and3A_527 = arith.andi %shift_right_logical3A_524, %and3A_526 : vector<16xi32>
        %shift_left3A_528 = arith.constant 6 : i32
        %shift_left3A_529 = vector.broadcast %shift_left3A_528 : i32 to vector<16xi32>
        %shift_left3A_530 = arith.shli %and3A_527, %shift_left3A_529 : vector<16xi32>
        %swap3A_531 = arith.constant 96 : index
        %swap3A_532 = tpu.vector_load %arg9[%swap3A_531] {strides = array<i32>} : memref<144xi32, #tpu.memory_space<vmem>>, vector<16xi32>,
        tpu.vector_store %arg9[%swap3A_531], %shift_left3A_530 {strides = array<i32>} : memref<144xi32, #tpu.memory_space<vmem>>, vector<16xi32>,
        %get3A_533 = arith.index_cast %add3A_350 : i32 to index
        %get3A_534 = arith.constant 112 : index
        %get3A_535 = tpu.vector_load %arg5[%get3A_533, %get3A_534] {strides = array<i32>} : memref<200x128xi32, #tpu.memory_space<vmem>>, vector<16xi32>,
        %shift_right_logical3A_536 = arith.constant 14 : i32
        %shift_right_logical3A_537 = vector.broadcast %shift_right_logical3A_536 : i32 to vector<16xi32>
        %shift_right_logical3A_538 = arith.shrui %get3A_535, %shift_right_logical3A_537 : vector<16xi32>
        %shift_left3A_539 = arith.constant 13 : i32
        %shift_left3A_540 = vector.broadcast %shift_left3A_539 : i32 to vector<16xi32>
        %shift_left3A_541 = arith.shli %shift_right_logical3A_538, %shift_left3A_540 : vector<16xi32>
        %and3A_542 = arith.constant 8191 : i32
        %and3A_543 = vector.broadcast %and3A_542 : i32 to vector<16xi32>
        %and3A_544 = arith.andi %get3A_535, %and3A_543 : vector<16xi32>
        %or3A_545 = arith.ori %shift_left3A_541, %and3A_544 : vector<16xi32>
        %swap3A_546 = arith.constant 112 : index
        %swap3A_547 = tpu.vector_load %arg7[%swap3A_546] {strides = array<i32>} : memref<128xi32, #tpu.memory_space<vmem>>, vector<16xi32>,
        tpu.vector_store %arg7[%swap3A_546], %or3A_545 {strides = array<i32>} : memref<128xi32, #tpu.memory_space<vmem>>, vector<16xi32>,
        %shift_right_logical3A_548 = arith.constant 13 : i32
        %shift_right_logical3A_549 = vector.broadcast %shift_right_logical3A_548 : i32 to vector<16xi32>
        %shift_right_logical3A_550 = arith.shrui %get3A_535, %shift_right_logical3A_549 : vector<16xi32>
        %and3A_551 = arith.constant 1 : i32
        %and3A_552 = vector.broadcast %and3A_551 : i32 to vector<16xi32>
        %and3A_553 = arith.andi %shift_right_logical3A_550, %and3A_552 : vector<16xi32>
        %shift_left3A_554 = arith.constant 6 : i32
        %shift_left3A_555 = vector.broadcast %shift_left3A_554 : i32 to vector<16xi32>
        %shift_left3A_556 = arith.shli %and3A_553, %shift_left3A_555 : vector<16xi32>
        %swap3A_557 = arith.constant 112 : index
        %swap3A_558 = tpu.vector_load %arg9[%swap3A_557] {strides = array<i32>} : memref<144xi32, #tpu.memory_space<vmem>>, vector<16xi32>,
        tpu.vector_store %arg9[%swap3A_557], %shift_left3A_556 {strides = array<i32>} : memref<144xi32, #tpu.memory_space<vmem>>, vector<16xi32>,
        %dma_start3A_559 = arith.constant 0 : i32
        %dma_start3A_560 = arith.constant 0 : i32
        %dma_start3A_561 = tpu.memref_slice %arg3[%dma_start3A_559, %dma_start3A_560] : memref<507904x128xf32, #tpu.memory_space<hbm>> -> memref<507904x128xf32, #tpu.memory_space<hbm>>
        tpu.enqueue_indirect_dma source(%dma_start3A_561 : memref<507904x128xf32, #tpu.memory_space<hbm>>) target(%arg11 : memref<128x128xf32, #tpu.memory_space<vmem>>) offsets(%arg7 : memref<128xi32, #tpu.memory_space<vmem>>) semaphore(%arg16 : memref<!tpu.dma_semaphore, #tpu.memory_space<semaphore_mem>>)
      } else {
      }
      %dma_wait3A_300 = arith.constant 0 : i32
      %dma_wait3A_301 = arith.constant 0 : i32
      %dma_wait3A_302 = tpu.memref_slice %arg3[%dma_wait3A_300, %dma_wait3A_301] : memref<507904x128xf32, #tpu.memory_space<hbm>> -> memref<507904x128xf32, #tpu.memory_space<hbm>>
      tpu.wait_indirect_dma semaphore(%arg15 : memref<!tpu.dma_semaphore, #tpu.memory_space<semaphore_mem>>) src(%dma_wait3A_302 : memref<507904x128xf32, #tpu.memory_space<hbm>>) dst(%arg10 : memref<128x128xf32, #tpu.memory_space<vmem>>)
      %ge3A = arith.constant 2 : i32
      %ge3A_303 = arith.cmpi sge, %add3A_295, %ge3A : i32
      %convert_element_type3A_304 = arith.extui %ge3A_303 : i1 to i32
      %cond3A_305 = arith.constant 0 : i32
      %cond3A_306 = arith.cmpi ne, %convert_element_type3A_304, %cond3A_305 : i32
      scf.if %cond3A_306 {
        %sub3A = arith.constant 2 : i32
        %sub3A_349 = arith.subi %add3A_295, %sub3A : i32
        %dma_wait3A_350 = arith.constant 0 : i32
        %dma_wait3A_351 = tpu.memref_slice %arg4[%sub3A_349, %dma_wait3A_350, %mul3A_2] : memref<200x64x4096xf32, #tpu.memory_space<hbm>> -> memref<1x64x128xf32, #tpu.memory_space<hbm>>
        %dma_wait3A_352 = tpu.memref_squeeze %dma_wait3A_351 : memref<1x64x128xf32, #tpu.memory_space<hbm>> -> memref<64x128xf32, #tpu.memory_space<hbm>>
        %dma_wait3A_353 = arith.constant 0 : i32
        %dma_wait3A_354 = tpu.memref_slice %arg4[%sub3A_349, %dma_wait3A_353, %mul3A_2] : memref<200x64x4096xf32, #tpu.memory_space<hbm>> -> memref<1x64x128xf32, #tpu.memory_space<hbm>>
        %dma_wait3A_355 = tpu.memref_squeeze %dma_wait3A_354 : memref<1x64x128xf32, #tpu.memory_space<hbm>> -> memref<64x128xf32, #tpu.memory_space<hbm>>
        tpu.wait_dma2 semaphore(%arg17 : memref<!tpu.dma_semaphore, #tpu.memory_space<semaphore_mem>>) src(%arg13 : memref<64x128xf32, #tpu.memory_space<vmem>>) dst(%dma_wait3A_355 : memref<64x128xf32, #tpu.memory_space<hbm>>)
      } else {
      }
      %parallel_loop3A = arith.constant 0 : i32
      %parallel_loop3A_307 = arith.constant 128 : i32
      %parallel_loop3A_308 = arith.constant 1 : i32
      scf.for %parallel_loop3A_349 = %parallel_loop3A to %parallel_loop3A_307 step %parallel_loop3A_308  : i32 {
        %parallel_loop3A_350 = arith.index_cast %parallel_loop3A_349 : i32 to index
        %parallel_loop3A_351 = tpu.vector_load %arg8[%parallel_loop3A_350] {strides = array<i32>} : memref<144xi32, #tpu.memory_space<vmem>>, vector<16xi32>,
        %parallel_loop3A_352 = vector.extract_strided_slice %parallel_loop3A_351 {offsets = [0], sizes = [1], strides = [1]} : vector<16xi32> to vector<1xi32>
        %parallel_loop3A_353 = vector.extract %parallel_loop3A_352[0] : i32 from vector<1xi32>
        %parallel_loop3A_354 = arith.constant 65 : i32
        %parallel_loop3A_355 = arith.muli %parallel_loop3A_349, %parallel_loop3A_354 : i32
        %parallel_loop3A_356 = arith.constant 0 : i32
        %parallel_loop3A_357 = arith.addi %parallel_loop3A_353, %parallel_loop3A_356 : i32
        %parallel_loop3A_358 = arith.index_cast %parallel_loop3A_349 : i32 to index
        %parallel_loop3A_359 = arith.index_cast %parallel_loop3A_357 : i32 to index
        %parallel_loop3A_360 = tpu.vector_load %arg10[%parallel_loop3A_358, %parallel_loop3A_359] {strides = array<i32>} : memref<128x128xf32, #tpu.memory_space<vmem>>, vector<16xf32>,
        %parallel_loop3A_361 = arith.constant 8.000000e+00 : f32
        %parallel_loop3A_362 = vector.broadcast %parallel_loop3A_361 : f32 to vector<16xf32>
        %parallel_loop3A_363 = arith.mulf %parallel_loop3A_360, %parallel_loop3A_362 : vector<16xf32>
        %parallel_loop3A_364 = arith.constant 0 : i32
        %parallel_loop3A_365 = arith.addi %parallel_loop3A_355, %parallel_loop3A_364 : i32
        %parallel_loop3A_366 = arith.index_cast %parallel_loop3A_365 : i32 to index
        %parallel_loop3A_367 = tpu.vector_load %arg12[%parallel_loop3A_366] {strides = array<i32>} : memref<8320xf32, #tpu.memory_space<vmem>>, vector<16xf32>,
        tpu.vector_store %arg12[%parallel_loop3A_366], %parallel_loop3A_363 {strides = array<i32>} : memref<8320xf32, #tpu.memory_space<vmem>>, vector<16xf32>,
        %parallel_loop3A_368 = arith.constant 16 : i32
        %parallel_loop3A_369 = arith.addi %parallel_loop3A_353, %parallel_loop3A_368 : i32
        %parallel_loop3A_370 = arith.index_cast %parallel_loop3A_349 : i32 to index
        %parallel_loop3A_371 = arith.index_cast %parallel_loop3A_369 : i32 to index
        %parallel_loop3A_372 = tpu.vector_load %arg10[%parallel_loop3A_370, %parallel_loop3A_371] {strides = array<i32>} : memref<128x128xf32, #tpu.memory_space<vmem>>, vector<16xf32>,
        %parallel_loop3A_373 = arith.constant 8.000000e+00 : f32
        %parallel_loop3A_374 = vector.broadcast %parallel_loop3A_373 : f32 to vector<16xf32>
        %parallel_loop3A_375 = arith.mulf %parallel_loop3A_372, %parallel_loop3A_374 : vector<16xf32>
        %parallel_loop3A_376 = arith.constant 16 : i32
        %parallel_loop3A_377 = arith.addi %parallel_loop3A_355, %parallel_loop3A_376 : i32
        %parallel_loop3A_378 = arith.index_cast %parallel_loop3A_377 : i32 to index
        %parallel_loop3A_379 = tpu.vector_load %arg12[%parallel_loop3A_378] {strides = array<i32>} : memref<8320xf32, #tpu.memory_space<vmem>>, vector<16xf32>,
        tpu.vector_store %arg12[%parallel_loop3A_378], %parallel_loop3A_375 {strides = array<i32>} : memref<8320xf32, #tpu.memory_space<vmem>>, vector<16xf32>,
        %parallel_loop3A_380 = arith.constant 32 : i32
        %parallel_loop3A_381 = arith.addi %parallel_loop3A_353, %parallel_loop3A_380 : i32
        %parallel_loop3A_382 = arith.index_cast %parallel_loop3A_349 : i32 to index
        %parallel_loop3A_383 = arith.index_cast %parallel_loop3A_381 : i32 to index
        %parallel_loop3A_384 = tpu.vector_load %arg10[%parallel_loop3A_382, %parallel_loop3A_383] {strides = array<i32>} : memref<128x128xf32, #tpu.memory_space<vmem>>, vector<16xf32>,
        %parallel_loop3A_385 = arith.constant 8.000000e+00 : f32
        %parallel_loop3A_386 = vector.broadcast %parallel_loop3A_385 : f32 to vector<16xf32>
        %parallel_loop3A_387 = arith.mulf %parallel_loop3A_384, %parallel_loop3A_386 : vector<16xf32>
        %parallel_loop3A_388 = arith.constant 32 : i32
        %parallel_loop3A_389 = arith.addi %parallel_loop3A_355, %parallel_loop3A_388 : i32
        %parallel_loop3A_390 = arith.index_cast %parallel_loop3A_389 : i32 to index
        %parallel_loop3A_391 = tpu.vector_load %arg12[%parallel_loop3A_390] {strides = array<i32>} : memref<8320xf32, #tpu.memory_space<vmem>>, vector<16xf32>,
        tpu.vector_store %arg12[%parallel_loop3A_390], %parallel_loop3A_387 {strides = array<i32>} : memref<8320xf32, #tpu.memory_space<vmem>>, vector<16xf32>,
        %parallel_loop3A_392 = arith.constant 48 : i32
        %parallel_loop3A_393 = arith.addi %parallel_loop3A_353, %parallel_loop3A_392 : i32
        %parallel_loop3A_394 = arith.index_cast %parallel_loop3A_349 : i32 to index
        %parallel_loop3A_395 = arith.index_cast %parallel_loop3A_393 : i32 to index
        %parallel_loop3A_396 = tpu.vector_load %arg10[%parallel_loop3A_394, %parallel_loop3A_395] {strides = array<i32>} : memref<128x128xf32, #tpu.memory_space<vmem>>, vector<16xf32>,
        %parallel_loop3A_397 = arith.constant 8.000000e+00 : f32
        %parallel_loop3A_398 = vector.broadcast %parallel_loop3A_397 : f32 to vector<16xf32>
        %parallel_loop3A_399 = arith.mulf %parallel_loop3A_396, %parallel_loop3A_398 : vector<16xf32>
        %parallel_loop3A_400 = arith.constant 48 : i32
        %parallel_loop3A_401 = arith.addi %parallel_loop3A_355, %parallel_loop3A_400 : i32
        %parallel_loop3A_402 = arith.index_cast %parallel_loop3A_401 : i32 to index
        %parallel_loop3A_403 = tpu.vector_load %arg12[%parallel_loop3A_402] {strides = array<i32>} : memref<8320xf32, #tpu.memory_space<vmem>>, vector<16xf32>,
        tpu.vector_store %arg12[%parallel_loop3A_402], %parallel_loop3A_399 {strides = array<i32>} : memref<8320xf32, #tpu.memory_space<vmem>>, vector<16xf32>,
      } {sc.loop_unroll_factor = 4 : i64, sc.parallel_access}
      %parallel_loop3A_309 = arith.constant 0 : i32
      %parallel_loop3A_310 = arith.constant 64 : i32
      %parallel_loop3A_311 = arith.constant 1 : i32
      scf.for %parallel_loop3A_349 = %parallel_loop3A_309 to %parallel_loop3A_310 step %parallel_loop3A_311  : i32 {
        %parallel_loop3A_350 = vector.broadcast %parallel_loop3A_349 : i32 to vector<16xi32>
        %parallel_loop3A_351 = arith.addi %mul3A_8, %parallel_loop3A_350 : vector<16xi32>
        %parallel_loop3A_352 = tpu.vector_load_idx %arg12[%parallel_loop3A_351] : memref<8320xf32, #tpu.memory_space<vmem>>[vector<16xi32>], vector<16xf32>,
        %parallel_loop3A_353 = arith.index_cast %parallel_loop3A_349 : i32 to index
        %parallel_loop3A_354 = arith.constant 0 : index
        %parallel_loop3A_355 = tpu.vector_load %arg13[%parallel_loop3A_353, %parallel_loop3A_354] {strides = array<i32>} : memref<64x128xf32, #tpu.memory_space<vmem>>, vector<16xf32>,
        tpu.vector_store %arg13[%parallel_loop3A_353, %parallel_loop3A_354], %parallel_loop3A_352 {strides = array<i32>} : memref<64x128xf32, #tpu.memory_space<vmem>>, vector<16xf32>,
        %parallel_loop3A_356 = vector.broadcast %parallel_loop3A_349 : i32 to vector<16xi32>
        %parallel_loop3A_357 = arith.addi %mul3A_15, %parallel_loop3A_356 : vector<16xi32>
        %parallel_loop3A_358 = tpu.vector_load_idx %arg12[%parallel_loop3A_357] : memref<8320xf32, #tpu.memory_space<vmem>>[vector<16xi32>], vector<16xf32>,
        %parallel_loop3A_359 = arith.index_cast %parallel_loop3A_349 : i32 to index
        %parallel_loop3A_360 = arith.constant 16 : index
        %parallel_loop3A_361 = tpu.vector_load %arg13[%parallel_loop3A_359, %parallel_loop3A_360] {strides = array<i32>} : memref<64x128xf32, #tpu.memory_space<vmem>>, vector<16xf32>,
        tpu.vector_store %arg13[%parallel_loop3A_359, %parallel_loop3A_360], %parallel_loop3A_358 {strides = array<i32>} : memref<64x128xf32, #tpu.memory_space<vmem>>, vector<16xf32>,
        %parallel_loop3A_362 = vector.broadcast %parallel_loop3A_349 : i32 to vector<16xi32>
        %parallel_loop3A_363 = arith.addi %mul3A_22, %parallel_loop3A_362 : vector<16xi32>
        %parallel_loop3A_364 = tpu.vector_load_idx %arg12[%parallel_loop3A_363] : memref<8320xf32, #tpu.memory_space<vmem>>[vector<16xi32>], vector<16xf32>,
        %parallel_loop3A_365 = arith.index_cast %parallel_loop3A_349 : i32 to index
        %parallel_loop3A_366 = arith.constant 32 : index
        %parallel_loop3A_367 = tpu.vector_load %arg13[%parallel_loop3A_365, %parallel_loop3A_366] {strides = array<i32>} : memref<64x128xf32, #tpu.memory_space<vmem>>, vector<16xf32>,
        tpu.vector_store %arg13[%parallel_loop3A_365, %parallel_loop3A_366], %parallel_loop3A_364 {strides = array<i32>} : memref<64x128xf32, #tpu.memory_space<vmem>>, vector<16xf32>,
        %parallel_loop3A_368 = vector.broadcast %parallel_loop3A_349 : i32 to vector<16xi32>
        %parallel_loop3A_369 = arith.addi %mul3A_29, %parallel_loop3A_368 : vector<16xi32>
        %parallel_loop3A_370 = tpu.vector_load_idx %arg12[%parallel_loop3A_369] : memref<8320xf32, #tpu.memory_space<vmem>>[vector<16xi32>], vector<16xf32>,
        %parallel_loop3A_371 = arith.index_cast %parallel_loop3A_349 : i32 to index
        %parallel_loop3A_372 = arith.constant 48 : index
        %parallel_loop3A_373 = tpu.vector_load %arg13[%parallel_loop3A_371, %parallel_loop3A_372] {strides = array<i32>} : memref<64x128xf32, #tpu.memory_space<vmem>>, vector<16xf32>,
        tpu.vector_store %arg13[%parallel_loop3A_371, %parallel_loop3A_372], %parallel_loop3A_370 {strides = array<i32>} : memref<64x128xf32, #tpu.memory_space<vmem>>, vector<16xf32>,
        %parallel_loop3A_374 = vector.broadcast %parallel_loop3A_349 : i32 to vector<16xi32>
        %parallel_loop3A_375 = arith.addi %mul3A_36, %parallel_loop3A_374 : vector<16xi32>
        %parallel_loop3A_376 = tpu.vector_load_idx %arg12[%parallel_loop3A_375] : memref<8320xf32, #tpu.memory_space<vmem>>[vector<16xi32>], vector<16xf32>,
        %parallel_loop3A_377 = arith.index_cast %parallel_loop3A_349 : i32 to index
        %parallel_loop3A_378 = arith.constant 64 : index
        %parallel_loop3A_379 = tpu.vector_load %arg13[%parallel_loop3A_377, %parallel_loop3A_378] {strides = array<i32>} : memref<64x128xf32, #tpu.memory_space<vmem>>, vector<16xf32>,
        tpu.vector_store %arg13[%parallel_loop3A_377, %parallel_loop3A_378], %parallel_loop3A_376 {strides = array<i32>} : memref<64x128xf32, #tpu.memory_space<vmem>>, vector<16xf32>,
        %parallel_loop3A_380 = vector.broadcast %parallel_loop3A_349 : i32 to vector<16xi32>
        %parallel_loop3A_381 = arith.addi %mul3A_43, %parallel_loop3A_380 : vector<16xi32>
        %parallel_loop3A_382 = tpu.vector_load_idx %arg12[%parallel_loop3A_381] : memref<8320xf32, #tpu.memory_space<vmem>>[vector<16xi32>], vector<16xf32>,
        %parallel_loop3A_383 = arith.index_cast %parallel_loop3A_349 : i32 to index
        %parallel_loop3A_384 = arith.constant 80 : index
        %parallel_loop3A_385 = tpu.vector_load %arg13[%parallel_loop3A_383, %parallel_loop3A_384] {strides = array<i32>} : memref<64x128xf32, #tpu.memory_space<vmem>>, vector<16xf32>,
        tpu.vector_store %arg13[%parallel_loop3A_383, %parallel_loop3A_384], %parallel_loop3A_382 {strides = array<i32>} : memref<64x128xf32, #tpu.memory_space<vmem>>, vector<16xf32>,
        %parallel_loop3A_386 = vector.broadcast %parallel_loop3A_349 : i32 to vector<16xi32>
        %parallel_loop3A_387 = arith.addi %mul3A_50, %parallel_loop3A_386 : vector<16xi32>
        %parallel_loop3A_388 = tpu.vector_load_idx %arg12[%parallel_loop3A_387] : memref<8320xf32, #tpu.memory_space<vmem>>[vector<16xi32>], vector<16xf32>,
        %parallel_loop3A_389 = arith.index_cast %parallel_loop3A_349 : i32 to index
        %parallel_loop3A_390 = arith.constant 96 : index
        %parallel_loop3A_391 = tpu.vector_load %arg13[%parallel_loop3A_389, %parallel_loop3A_390] {strides = array<i32>} : memref<64x128xf32, #tpu.memory_space<vmem>>, vector<16xf32>,
        tpu.vector_store %arg13[%parallel_loop3A_389, %parallel_loop3A_390], %parallel_loop3A_388 {strides = array<i32>} : memref<64x128xf32, #tpu.memory_space<vmem>>, vector<16xf32>,
        %parallel_loop3A_392 = vector.broadcast %parallel_loop3A_349 : i32 to vector<16xi32>
        %parallel_loop3A_393 = arith.addi %mul3A_57, %parallel_loop3A_392 : vector<16xi32>
        %parallel_loop3A_394 = tpu.vector_load_idx %arg12[%parallel_loop3A_393] : memref<8320xf32, #tpu.memory_space<vmem>>[vector<16xi32>], vector<16xf32>,
        %parallel_loop3A_395 = arith.index_cast %parallel_loop3A_349 : i32 to index
        %parallel_loop3A_396 = arith.constant 112 : index
        %parallel_loop3A_397 = tpu.vector_load %arg13[%parallel_loop3A_395, %parallel_loop3A_396] {strides = array<i32>} : memref<64x128xf32, #tpu.memory_space<vmem>>, vector<16xf32>,
        tpu.vector_store %arg13[%parallel_loop3A_395, %parallel_loop3A_396], %parallel_loop3A_394 {strides = array<i32>} : memref<64x128xf32, #tpu.memory_space<vmem>>, vector<16xf32>,
      } {sc.loop_unroll_factor = 2 : i64, sc.parallel_access}
      %dma_start3A_312 = arith.constant 0 : i32
      %dma_start3A_313 = tpu.memref_slice %arg4[%add3A_295, %dma_start3A_312, %mul3A_2] : memref<200x64x4096xf32, #tpu.memory_space<hbm>> -> memref<1x64x128xf32, #tpu.memory_space<hbm>>
      %dma_start3A_314 = tpu.memref_squeeze %dma_start3A_313 : memref<1x64x128xf32, #tpu.memory_space<hbm>> -> memref<64x128xf32, #tpu.memory_space<hbm>>
      %dma_start3A_315 = arith.constant 0 : i32
      %dma_start3A_316 = tpu.memref_slice %arg4[%add3A_295, %dma_start3A_315, %mul3A_2] : memref<200x64x4096xf32, #tpu.memory_space<hbm>> -> memref<1x64x128xf32, #tpu.memory_space<hbm>>
      %dma_start3A_317 = tpu.memref_squeeze %dma_start3A_316 : memref<1x64x128xf32, #tpu.memory_space<hbm>> -> memref<64x128xf32, #tpu.memory_space<hbm>>
      tpu.enqueue_dma source(%arg13 : memref<64x128xf32, #tpu.memory_space<vmem>>) target(%dma_start3A_317 : memref<64x128xf32, #tpu.memory_space<hbm>>) target_semaphore(%arg17 : memref<!tpu.dma_semaphore, #tpu.memory_space<semaphore_mem>>)
      %mul3A_318 = arith.constant 2 : i32
      %mul3A_319 = arith.muli %add3A_291, %mul3A_318 : i32
      %add3A_320 = arith.constant 1 : i32
      %add3A_321 = arith.addi %mul3A_319, %add3A_320 : i32
      %add3A_322 = arith.constant 1 : i32
      %add3A_323 = arith.addi %add3A_321, %add3A_322 : i32
      %lt3A_324 = arith.constant 200 : i32
      %lt3A_325 = arith.cmpi slt, %add3A_323, %lt3A_324 : i32
      %convert_element_type3A_326 = arith.extui %lt3A_325 : i1 to i32
      %cond3A_327 = arith.constant 0 : i32
      %cond3A_328 = arith.cmpi ne, %convert_element_type3A_326, %cond3A_327 : i32
      scf.if %cond3A_328 {
        %add3A_349 = arith.constant 1 : i32
        %add3A_350 = arith.addi %add3A_321, %add3A_349 : i32
        %get3A_351 = arith.index_cast %add3A_350 : i32 to index
        %get3A_352 = arith.constant 0 : index
        %get3A_353 = tpu.vector_load %arg5[%get3A_351, %get3A_352] {strides = array<i32>} : memref<200x128xi32, #tpu.memory_space<vmem>>, vector<16xi32>,
        %shift_right_logical3A_354 = arith.constant 14 : i32
        %shift_right_logical3A_355 = vector.broadcast %shift_right_logical3A_354 : i32 to vector<16xi32>
        %shift_right_logical3A_356 = arith.shrui %get3A_353, %shift_right_logical3A_355 : vector<16xi32>
        %shift_left3A_357 = arith.constant 13 : i32
        %shift_left3A_358 = vector.broadcast %shift_left3A_357 : i32 to vector<16xi32>
        %shift_left3A_359 = arith.shli %shift_right_logical3A_356, %shift_left3A_358 : vector<16xi32>
        %and3A_360 = arith.constant 8191 : i32
        %and3A_361 = vector.broadcast %and3A_360 : i32 to vector<16xi32>
        %and3A_362 = arith.andi %get3A_353, %and3A_361 : vector<16xi32>
        %or3A_363 = arith.ori %shift_left3A_359, %and3A_362 : vector<16xi32>
        %swap3A_364 = arith.constant 0 : index
        %swap3A_365 = tpu.vector_load %arg6[%swap3A_364] {strides = array<i32>} : memref<128xi32, #tpu.memory_space<vmem>>, vector<16xi32>,
        tpu.vector_store %arg6[%swap3A_364], %or3A_363 {strides = array<i32>} : memref<128xi32, #tpu.memory_space<vmem>>, vector<16xi32>,
        %shift_right_logical3A_366 = arith.constant 13 : i32
        %shift_right_logical3A_367 = vector.broadcast %shift_right_logical3A_366 : i32 to vector<16xi32>
        %shift_right_logical3A_368 = arith.shrui %get3A_353, %shift_right_logical3A_367 : vector<16xi32>
        %and3A_369 = arith.constant 1 : i32
        %and3A_370 = vector.broadcast %and3A_369 : i32 to vector<16xi32>
        %and3A_371 = arith.andi %shift_right_logical3A_368, %and3A_370 : vector<16xi32>
        %shift_left3A_372 = arith.constant 6 : i32
        %shift_left3A_373 = vector.broadcast %shift_left3A_372 : i32 to vector<16xi32>
        %shift_left3A_374 = arith.shli %and3A_371, %shift_left3A_373 : vector<16xi32>
        %swap3A_375 = arith.constant 0 : index
        %swap3A_376 = tpu.vector_load %arg8[%swap3A_375] {strides = array<i32>} : memref<144xi32, #tpu.memory_space<vmem>>, vector<16xi32>,
        tpu.vector_store %arg8[%swap3A_375], %shift_left3A_374 {strides = array<i32>} : memref<144xi32, #tpu.memory_space<vmem>>, vector<16xi32>,
        %get3A_377 = arith.index_cast %add3A_350 : i32 to index
        %get3A_378 = arith.constant 16 : index
        %get3A_379 = tpu.vector_load %arg5[%get3A_377, %get3A_378] {strides = array<i32>} : memref<200x128xi32, #tpu.memory_space<vmem>>, vector<16xi32>,
        %shift_right_logical3A_380 = arith.constant 14 : i32
        %shift_right_logical3A_381 = vector.broadcast %shift_right_logical3A_380 : i32 to vector<16xi32>
        %shift_right_logical3A_382 = arith.shrui %get3A_379, %shift_right_logical3A_381 : vector<16xi32>
        %shift_left3A_383 = arith.constant 13 : i32
        %shift_left3A_384 = vector.broadcast %shift_left3A_383 : i32 to vector<16xi32>
        %shift_left3A_385 = arith.shli %shift_right_logical3A_382, %shift_left3A_384 : vector<16xi32>
        %and3A_386 = arith.constant 8191 : i32
        %and3A_387 = vector.broadcast %and3A_386 : i32 to vector<16xi32>
        %and3A_388 = arith.andi %get3A_379, %and3A_387 : vector<16xi32>
        %or3A_389 = arith.ori %shift_left3A_385, %and3A_388 : vector<16xi32>
        %swap3A_390 = arith.constant 16 : index
        %swap3A_391 = tpu.vector_load %arg6[%swap3A_390] {strides = array<i32>} : memref<128xi32, #tpu.memory_space<vmem>>, vector<16xi32>,
        tpu.vector_store %arg6[%swap3A_390], %or3A_389 {strides = array<i32>} : memref<128xi32, #tpu.memory_space<vmem>>, vector<16xi32>,
        %shift_right_logical3A_392 = arith.constant 13 : i32
        %shift_right_logical3A_393 = vector.broadcast %shift_right_logical3A_392 : i32 to vector<16xi32>
        %shift_right_logical3A_394 = arith.shrui %get3A_379, %shift_right_logical3A_393 : vector<16xi32>
        %and3A_395 = arith.constant 1 : i32
        %and3A_396 = vector.broadcast %and3A_395 : i32 to vector<16xi32>
        %and3A_397 = arith.andi %shift_right_logical3A_394, %and3A_396 : vector<16xi32>
        %shift_left3A_398 = arith.constant 6 : i32
        %shift_left3A_399 = vector.broadcast %shift_left3A_398 : i32 to vector<16xi32>
        %shift_left3A_400 = arith.shli %and3A_397, %shift_left3A_399 : vector<16xi32>
        %swap3A_401 = arith.constant 16 : index
        %swap3A_402 = tpu.vector_load %arg8[%swap3A_401] {strides = array<i32>} : memref<144xi32, #tpu.memory_space<vmem>>, vector<16xi32>,
        tpu.vector_store %arg8[%swap3A_401], %shift_left3A_400 {strides = array<i32>} : memref<144xi32, #tpu.memory_space<vmem>>, vector<16xi32>,
        %get3A_403 = arith.index_cast %add3A_350 : i32 to index
        %get3A_404 = arith.constant 32 : index
        %get3A_405 = tpu.vector_load %arg5[%get3A_403, %get3A_404] {strides = array<i32>} : memref<200x128xi32, #tpu.memory_space<vmem>>, vector<16xi32>,
        %shift_right_logical3A_406 = arith.constant 14 : i32
        %shift_right_logical3A_407 = vector.broadcast %shift_right_logical3A_406 : i32 to vector<16xi32>
        %shift_right_logical3A_408 = arith.shrui %get3A_405, %shift_right_logical3A_407 : vector<16xi32>
        %shift_left3A_409 = arith.constant 13 : i32
        %shift_left3A_410 = vector.broadcast %shift_left3A_409 : i32 to vector<16xi32>
        %shift_left3A_411 = arith.shli %shift_right_logical3A_408, %shift_left3A_410 : vector<16xi32>
        %and3A_412 = arith.constant 8191 : i32
        %and3A_413 = vector.broadcast %and3A_412 : i32 to vector<16xi32>
        %and3A_414 = arith.andi %get3A_405, %and3A_413 : vector<16xi32>
        %or3A_415 = arith.ori %shift_left3A_411, %and3A_414 : vector<16xi32>
        %swap3A_416 = arith.constant 32 : index
        %swap3A_417 = tpu.vector_load %arg6[%swap3A_416] {strides = array<i32>} : memref<128xi32, #tpu.memory_space<vmem>>, vector<16xi32>,
        tpu.vector_store %arg6[%swap3A_416], %or3A_415 {strides = array<i32>} : memref<128xi32, #tpu.memory_space<vmem>>, vector<16xi32>,
        %shift_right_logical3A_418 = arith.constant 13 : i32
        %shift_right_logical3A_419 = vector.broadcast %shift_right_logical3A_418 : i32 to vector<16xi32>
        %shift_right_logical3A_420 = arith.shrui %get3A_405, %shift_right_logical3A_419 : vector<16xi32>
        %and3A_421 = arith.constant 1 : i32
        %and3A_422 = vector.broadcast %and3A_421 : i32 to vector<16xi32>
        %and3A_423 = arith.andi %shift_right_logical3A_420, %and3A_422 : vector<16xi32>
        %shift_left3A_424 = arith.constant 6 : i32
        %shift_left3A_425 = vector.broadcast %shift_left3A_424 : i32 to vector<16xi32>
        %shift_left3A_426 = arith.shli %and3A_423, %shift_left3A_425 : vector<16xi32>
        %swap3A_427 = arith.constant 32 : index
        %swap3A_428 = tpu.vector_load %arg8[%swap3A_427] {strides = array<i32>} : memref<144xi32, #tpu.memory_space<vmem>>, vector<16xi32>,
        tpu.vector_store %arg8[%swap3A_427], %shift_left3A_426 {strides = array<i32>} : memref<144xi32, #tpu.memory_space<vmem>>, vector<16xi32>,
        %get3A_429 = arith.index_cast %add3A_350 : i32 to index
        %get3A_430 = arith.constant 48 : index
        %get3A_431 = tpu.vector_load %arg5[%get3A_429, %get3A_430] {strides = array<i32>} : memref<200x128xi32, #tpu.memory_space<vmem>>, vector<16xi32>,
        %shift_right_logical3A_432 = arith.constant 14 : i32
        %shift_right_logical3A_433 = vector.broadcast %shift_right_logical3A_432 : i32 to vector<16xi32>
        %shift_right_logical3A_434 = arith.shrui %get3A_431, %shift_right_logical3A_433 : vector<16xi32>
        %shift_left3A_435 = arith.constant 13 : i32
        %shift_left3A_436 = vector.broadcast %shift_left3A_435 : i32 to vector<16xi32>
        %shift_left3A_437 = arith.shli %shift_right_logical3A_434, %shift_left3A_436 : vector<16xi32>
        %and3A_438 = arith.constant 8191 : i32
        %and3A_439 = vector.broadcast %and3A_438 : i32 to vector<16xi32>
        %and3A_440 = arith.andi %get3A_431, %and3A_439 : vector<16xi32>
        %or3A_441 = arith.ori %shift_left3A_437, %and3A_440 : vector<16xi32>
        %swap3A_442 = arith.constant 48 : index
        %swap3A_443 = tpu.vector_load %arg6[%swap3A_442] {strides = array<i32>} : memref<128xi32, #tpu.memory_space<vmem>>, vector<16xi32>,
        tpu.vector_store %arg6[%swap3A_442], %or3A_441 {strides = array<i32>} : memref<128xi32, #tpu.memory_space<vmem>>, vector<16xi32>,
        %shift_right_logical3A_444 = arith.constant 13 : i32
        %shift_right_logical3A_445 = vector.broadcast %shift_right_logical3A_444 : i32 to vector<16xi32>
        %shift_right_logical3A_446 = arith.shrui %get3A_431, %shift_right_logical3A_445 : vector<16xi32>
        %and3A_447 = arith.constant 1 : i32
        %and3A_448 = vector.broadcast %and3A_447 : i32 to vector<16xi32>
        %and3A_449 = arith.andi %shift_right_logical3A_446, %and3A_448 : vector<16xi32>
        %shift_left3A_450 = arith.constant 6 : i32
        %shift_left3A_451 = vector.broadcast %shift_left3A_450 : i32 to vector<16xi32>
        %shift_left3A_452 = arith.shli %and3A_449, %shift_left3A_451 : vector<16xi32>
        %swap3A_453 = arith.constant 48 : index
        %swap3A_454 = tpu.vector_load %arg8[%swap3A_453] {strides = array<i32>} : memref<144xi32, #tpu.memory_space<vmem>>, vector<16xi32>,
        tpu.vector_store %arg8[%swap3A_453], %shift_left3A_452 {strides = array<i32>} : memref<144xi32, #tpu.memory_space<vmem>>, vector<16xi32>,
        %get3A_455 = arith.index_cast %add3A_350 : i32 to index
        %get3A_456 = arith.constant 64 : index
        %get3A_457 = tpu.vector_load %arg5[%get3A_455, %get3A_456] {strides = array<i32>} : memref<200x128xi32, #tpu.memory_space<vmem>>, vector<16xi32>,
        %shift_right_logical3A_458 = arith.constant 14 : i32
        %shift_right_logical3A_459 = vector.broadcast %shift_right_logical3A_458 : i32 to vector<16xi32>
        %shift_right_logical3A_460 = arith.shrui %get3A_457, %shift_right_logical3A_459 : vector<16xi32>
        %shift_left3A_461 = arith.constant 13 : i32
        %shift_left3A_462 = vector.broadcast %shift_left3A_461 : i32 to vector<16xi32>
        %shift_left3A_463 = arith.shli %shift_right_logical3A_460, %shift_left3A_462 : vector<16xi32>
        %and3A_464 = arith.constant 8191 : i32
        %and3A_465 = vector.broadcast %and3A_464 : i32 to vector<16xi32>
        %and3A_466 = arith.andi %get3A_457, %and3A_465 : vector<16xi32>
        %or3A_467 = arith.ori %shift_left3A_463, %and3A_466 : vector<16xi32>
        %swap3A_468 = arith.constant 64 : index
        %swap3A_469 = tpu.vector_load %arg6[%swap3A_468] {strides = array<i32>} : memref<128xi32, #tpu.memory_space<vmem>>, vector<16xi32>,
        tpu.vector_store %arg6[%swap3A_468], %or3A_467 {strides = array<i32>} : memref<128xi32, #tpu.memory_space<vmem>>, vector<16xi32>,
        %shift_right_logical3A_470 = arith.constant 13 : i32
        %shift_right_logical3A_471 = vector.broadcast %shift_right_logical3A_470 : i32 to vector<16xi32>
        %shift_right_logical3A_472 = arith.shrui %get3A_457, %shift_right_logical3A_471 : vector<16xi32>
        %and3A_473 = arith.constant 1 : i32
        %and3A_474 = vector.broadcast %and3A_473 : i32 to vector<16xi32>
        %and3A_475 = arith.andi %shift_right_logical3A_472, %and3A_474 : vector<16xi32>
        %shift_left3A_476 = arith.constant 6 : i32
        %shift_left3A_477 = vector.broadcast %shift_left3A_476 : i32 to vector<16xi32>
        %shift_left3A_478 = arith.shli %and3A_475, %shift_left3A_477 : vector<16xi32>
        %swap3A_479 = arith.constant 64 : index
        %swap3A_480 = tpu.vector_load %arg8[%swap3A_479] {strides = array<i32>} : memref<144xi32, #tpu.memory_space<vmem>>, vector<16xi32>,
        tpu.vector_store %arg8[%swap3A_479], %shift_left3A_478 {strides = array<i32>} : memref<144xi32, #tpu.memory_space<vmem>>, vector<16xi32>,
        %get3A_481 = arith.index_cast %add3A_350 : i32 to index
        %get3A_482 = arith.constant 80 : index
        %get3A_483 = tpu.vector_load %arg5[%get3A_481, %get3A_482] {strides = array<i32>} : memref<200x128xi32, #tpu.memory_space<vmem>>, vector<16xi32>,
        %shift_right_logical3A_484 = arith.constant 14 : i32
        %shift_right_logical3A_485 = vector.broadcast %shift_right_logical3A_484 : i32 to vector<16xi32>
        %shift_right_logical3A_486 = arith.shrui %get3A_483, %shift_right_logical3A_485 : vector<16xi32>
        %shift_left3A_487 = arith.constant 13 : i32
        %shift_left3A_488 = vector.broadcast %shift_left3A_487 : i32 to vector<16xi32>
        %shift_left3A_489 = arith.shli %shift_right_logical3A_486, %shift_left3A_488 : vector<16xi32>
        %and3A_490 = arith.constant 8191 : i32
        %and3A_491 = vector.broadcast %and3A_490 : i32 to vector<16xi32>
        %and3A_492 = arith.andi %get3A_483, %and3A_491 : vector<16xi32>
        %or3A_493 = arith.ori %shift_left3A_489, %and3A_492 : vector<16xi32>
        %swap3A_494 = arith.constant 80 : index
        %swap3A_495 = tpu.vector_load %arg6[%swap3A_494] {strides = array<i32>} : memref<128xi32, #tpu.memory_space<vmem>>, vector<16xi32>,
        tpu.vector_store %arg6[%swap3A_494], %or3A_493 {strides = array<i32>} : memref<128xi32, #tpu.memory_space<vmem>>, vector<16xi32>,
        %shift_right_logical3A_496 = arith.constant 13 : i32
        %shift_right_logical3A_497 = vector.broadcast %shift_right_logical3A_496 : i32 to vector<16xi32>
        %shift_right_logical3A_498 = arith.shrui %get3A_483, %shift_right_logical3A_497 : vector<16xi32>
        %and3A_499 = arith.constant 1 : i32
        %and3A_500 = vector.broadcast %and3A_499 : i32 to vector<16xi32>
        %and3A_501 = arith.andi %shift_right_logical3A_498, %and3A_500 : vector<16xi32>
        %shift_left3A_502 = arith.constant 6 : i32
        %shift_left3A_503 = vector.broadcast %shift_left3A_502 : i32 to vector<16xi32>
        %shift_left3A_504 = arith.shli %and3A_501, %shift_left3A_503 : vector<16xi32>
        %swap3A_505 = arith.constant 80 : index
        %swap3A_506 = tpu.vector_load %arg8[%swap3A_505] {strides = array<i32>} : memref<144xi32, #tpu.memory_space<vmem>>, vector<16xi32>,
        tpu.vector_store %arg8[%swap3A_505], %shift_left3A_504 {strides = array<i32>} : memref<144xi32, #tpu.memory_space<vmem>>, vector<16xi32>,
        %get3A_507 = arith.index_cast %add3A_350 : i32 to index
        %get3A_508 = arith.constant 96 : index
        %get3A_509 = tpu.vector_load %arg5[%get3A_507, %get3A_508] {strides = array<i32>} : memref<200x128xi32, #tpu.memory_space<vmem>>, vector<16xi32>,
        %shift_right_logical3A_510 = arith.constant 14 : i32
        %shift_right_logical3A_511 = vector.broadcast %shift_right_logical3A_510 : i32 to vector<16xi32>
        %shift_right_logical3A_512 = arith.shrui %get3A_509, %shift_right_logical3A_511 : vector<16xi32>
        %shift_left3A_513 = arith.constant 13 : i32
        %shift_left3A_514 = vector.broadcast %shift_left3A_513 : i32 to vector<16xi32>
        %shift_left3A_515 = arith.shli %shift_right_logical3A_512, %shift_left3A_514 : vector<16xi32>
        %and3A_516 = arith.constant 8191 : i32
        %and3A_517 = vector.broadcast %and3A_516 : i32 to vector<16xi32>
        %and3A_518 = arith.andi %get3A_509, %and3A_517 : vector<16xi32>
        %or3A_519 = arith.ori %shift_left3A_515, %and3A_518 : vector<16xi32>
        %swap3A_520 = arith.constant 96 : index
        %swap3A_521 = tpu.vector_load %arg6[%swap3A_520] {strides = array<i32>} : memref<128xi32, #tpu.memory_space<vmem>>, vector<16xi32>,
        tpu.vector_store %arg6[%swap3A_520], %or3A_519 {strides = array<i32>} : memref<128xi32, #tpu.memory_space<vmem>>, vector<16xi32>,
        %shift_right_logical3A_522 = arith.constant 13 : i32
        %shift_right_logical3A_523 = vector.broadcast %shift_right_logical3A_522 : i32 to vector<16xi32>
        %shift_right_logical3A_524 = arith.shrui %get3A_509, %shift_right_logical3A_523 : vector<16xi32>
        %and3A_525 = arith.constant 1 : i32
        %and3A_526 = vector.broadcast %and3A_525 : i32 to vector<16xi32>
        %and3A_527 = arith.andi %shift_right_logical3A_524, %and3A_526 : vector<16xi32>
        %shift_left3A_528 = arith.constant 6 : i32
        %shift_left3A_529 = vector.broadcast %shift_left3A_528 : i32 to vector<16xi32>
        %shift_left3A_530 = arith.shli %and3A_527, %shift_left3A_529 : vector<16xi32>
        %swap3A_531 = arith.constant 96 : index
        %swap3A_532 = tpu.vector_load %arg8[%swap3A_531] {strides = array<i32>} : memref<144xi32, #tpu.memory_space<vmem>>, vector<16xi32>,
        tpu.vector_store %arg8[%swap3A_531], %shift_left3A_530 {strides = array<i32>} : memref<144xi32, #tpu.memory_space<vmem>>, vector<16xi32>,
        %get3A_533 = arith.index_cast %add3A_350 : i32 to index
        %get3A_534 = arith.constant 112 : index
        %get3A_535 = tpu.vector_load %arg5[%get3A_533, %get3A_534] {strides = array<i32>} : memref<200x128xi32, #tpu.memory_space<vmem>>, vector<16xi32>,
        %shift_right_logical3A_536 = arith.constant 14 : i32
        %shift_right_logical3A_537 = vector.broadcast %shift_right_logical3A_536 : i32 to vector<16xi32>
        %shift_right_logical3A_538 = arith.shrui %get3A_535, %shift_right_logical3A_537 : vector<16xi32>
        %shift_left3A_539 = arith.constant 13 : i32
        %shift_left3A_540 = vector.broadcast %shift_left3A_539 : i32 to vector<16xi32>
        %shift_left3A_541 = arith.shli %shift_right_logical3A_538, %shift_left3A_540 : vector<16xi32>
        %and3A_542 = arith.constant 8191 : i32
        %and3A_543 = vector.broadcast %and3A_542 : i32 to vector<16xi32>
        %and3A_544 = arith.andi %get3A_535, %and3A_543 : vector<16xi32>
        %or3A_545 = arith.ori %shift_left3A_541, %and3A_544 : vector<16xi32>
        %swap3A_546 = arith.constant 112 : index
        %swap3A_547 = tpu.vector_load %arg6[%swap3A_546] {strides = array<i32>} : memref<128xi32, #tpu.memory_space<vmem>>, vector<16xi32>,
        tpu.vector_store %arg6[%swap3A_546], %or3A_545 {strides = array<i32>} : memref<128xi32, #tpu.memory_space<vmem>>, vector<16xi32>,
        %shift_right_logical3A_548 = arith.constant 13 : i32
        %shift_right_logical3A_549 = vector.broadcast %shift_right_logical3A_548 : i32 to vector<16xi32>
        %shift_right_logical3A_550 = arith.shrui %get3A_535, %shift_right_logical3A_549 : vector<16xi32>
        %and3A_551 = arith.constant 1 : i32
        %and3A_552 = vector.broadcast %and3A_551 : i32 to vector<16xi32>
        %and3A_553 = arith.andi %shift_right_logical3A_550, %and3A_552 : vector<16xi32>
        %shift_left3A_554 = arith.constant 6 : i32
        %shift_left3A_555 = vector.broadcast %shift_left3A_554 : i32 to vector<16xi32>
        %shift_left3A_556 = arith.shli %and3A_553, %shift_left3A_555 : vector<16xi32>
        %swap3A_557 = arith.constant 112 : index
        %swap3A_558 = tpu.vector_load %arg8[%swap3A_557] {strides = array<i32>} : memref<144xi32, #tpu.memory_space<vmem>>, vector<16xi32>,
        tpu.vector_store %arg8[%swap3A_557], %shift_left3A_556 {strides = array<i32>} : memref<144xi32, #tpu.memory_space<vmem>>, vector<16xi32>,
        %dma_start3A_559 = arith.constant 0 : i32
        %dma_start3A_560 = arith.constant 0 : i32
        %dma_start3A_561 = tpu.memref_slice %arg3[%dma_start3A_559, %dma_start3A_560] : memref<507904x128xf32, #tpu.memory_space<hbm>> -> memref<507904x128xf32, #tpu.memory_space<hbm>>
        tpu.enqueue_indirect_dma source(%dma_start3A_561 : memref<507904x128xf32, #tpu.memory_space<hbm>>) target(%arg10 : memref<128x128xf32, #tpu.memory_space<vmem>>) offsets(%arg6 : memref<128xi32, #tpu.memory_space<vmem>>) semaphore(%arg15 : memref<!tpu.dma_semaphore, #tpu.memory_space<semaphore_mem>>)
      } else {
      }
      %dma_wait3A_329 = arith.constant 0 : i32
      %dma_wait3A_330 = arith.constant 0 : i32
      %dma_wait3A_331 = tpu.memref_slice %arg3[%dma_wait3A_329, %dma_wait3A_330] : memref<507904x128xf32, #tpu.memory_space<hbm>> -> memref<507904x128xf32, #tpu.memory_space<hbm>>
      tpu.wait_indirect_dma semaphore(%arg16 : memref<!tpu.dma_semaphore, #tpu.memory_space<semaphore_mem>>) src(%dma_wait3A_331 : memref<507904x128xf32, #tpu.memory_space<hbm>>) dst(%arg11 : memref<128x128xf32, #tpu.memory_space<vmem>>)
      %ge3A_332 = arith.constant 2 : i32
      %ge3A_333 = arith.cmpi sge, %add3A_321, %ge3A_332 : i32
      %convert_element_type3A_334 = arith.extui %ge3A_333 : i1 to i32
      %cond3A_335 = arith.constant 0 : i32
      %cond3A_336 = arith.cmpi ne, %convert_element_type3A_334, %cond3A_335 : i32
      scf.if %cond3A_336 {
        %sub3A = arith.constant 2 : i32
        %sub3A_349 = arith.subi %add3A_321, %sub3A : i32
        %dma_wait3A_350 = arith.constant 0 : i32
        %dma_wait3A_351 = tpu.memref_slice %arg4[%sub3A_349, %dma_wait3A_350, %mul3A_2] : memref<200x64x4096xf32, #tpu.memory_space<hbm>> -> memref<1x64x128xf32, #tpu.memory_space<hbm>>
        %dma_wait3A_352 = tpu.memref_squeeze %dma_wait3A_351 : memref<1x64x128xf32, #tpu.memory_space<hbm>> -> memref<64x128xf32, #tpu.memory_space<hbm>>
        %dma_wait3A_353 = arith.constant 0 : i32
        %dma_wait3A_354 = tpu.memref_slice %arg4[%sub3A_349, %dma_wait3A_353, %mul3A_2] : memref<200x64x4096xf32, #tpu.memory_space<hbm>> -> memref<1x64x128xf32, #tpu.memory_space<hbm>>
        %dma_wait3A_355 = tpu.memref_squeeze %dma_wait3A_354 : memref<1x64x128xf32, #tpu.memory_space<hbm>> -> memref<64x128xf32, #tpu.memory_space<hbm>>
        tpu.wait_dma2 semaphore(%arg18 : memref<!tpu.dma_semaphore, #tpu.memory_space<semaphore_mem>>) src(%arg14 : memref<64x128xf32, #tpu.memory_space<vmem>>) dst(%dma_wait3A_355 : memref<64x128xf32, #tpu.memory_space<hbm>>)
      } else {
      }
      %parallel_loop3A_337 = arith.constant 0 : i32
      %parallel_loop3A_338 = arith.constant 128 : i32
      %parallel_loop3A_339 = arith.constant 1 : i32
      scf.for %parallel_loop3A_349 = %parallel_loop3A_337 to %parallel_loop3A_338 step %parallel_loop3A_339  : i32 {
        %parallel_loop3A_350 = arith.index_cast %parallel_loop3A_349 : i32 to index
        %parallel_loop3A_351 = tpu.vector_load %arg9[%parallel_loop3A_350] {strides = array<i32>} : memref<144xi32, #tpu.memory_space<vmem>>, vector<16xi32>,
        %parallel_loop3A_352 = vector.extract_strided_slice %parallel_loop3A_351 {offsets = [0], sizes = [1], strides = [1]} : vector<16xi32> to vector<1xi32>
        %parallel_loop3A_353 = vector.extract %parallel_loop3A_352[0] : i32 from vector<1xi32>
        %parallel_loop3A_354 = arith.constant 65 : i32
        %parallel_loop3A_355 = arith.muli %parallel_loop3A_349, %parallel_loop3A_354 : i32
        %parallel_loop3A_356 = arith.constant 0 : i32
        %parallel_loop3A_357 = arith.addi %parallel_loop3A_353, %parallel_loop3A_356 : i32
        %parallel_loop3A_358 = arith.index_cast %parallel_loop3A_349 : i32 to index
        %parallel_loop3A_359 = arith.index_cast %parallel_loop3A_357 : i32 to index
        %parallel_loop3A_360 = tpu.vector_load %arg11[%parallel_loop3A_358, %parallel_loop3A_359] {strides = array<i32>} : memref<128x128xf32, #tpu.memory_space<vmem>>, vector<16xf32>,
        %parallel_loop3A_361 = arith.constant 8.000000e+00 : f32
        %parallel_loop3A_362 = vector.broadcast %parallel_loop3A_361 : f32 to vector<16xf32>
        %parallel_loop3A_363 = arith.mulf %parallel_loop3A_360, %parallel_loop3A_362 : vector<16xf32>
        %parallel_loop3A_364 = arith.constant 0 : i32
        %parallel_loop3A_365 = arith.addi %parallel_loop3A_355, %parallel_loop3A_364 : i32
        %parallel_loop3A_366 = arith.index_cast %parallel_loop3A_365 : i32 to index
        %parallel_loop3A_367 = tpu.vector_load %arg12[%parallel_loop3A_366] {strides = array<i32>} : memref<8320xf32, #tpu.memory_space<vmem>>, vector<16xf32>,
        tpu.vector_store %arg12[%parallel_loop3A_366], %parallel_loop3A_363 {strides = array<i32>} : memref<8320xf32, #tpu.memory_space<vmem>>, vector<16xf32>,
        %parallel_loop3A_368 = arith.constant 16 : i32
        %parallel_loop3A_369 = arith.addi %parallel_loop3A_353, %parallel_loop3A_368 : i32
        %parallel_loop3A_370 = arith.index_cast %parallel_loop3A_349 : i32 to index
        %parallel_loop3A_371 = arith.index_cast %parallel_loop3A_369 : i32 to index
        %parallel_loop3A_372 = tpu.vector_load %arg11[%parallel_loop3A_370, %parallel_loop3A_371] {strides = array<i32>} : memref<128x128xf32, #tpu.memory_space<vmem>>, vector<16xf32>,
        %parallel_loop3A_373 = arith.constant 8.000000e+00 : f32
        %parallel_loop3A_374 = vector.broadcast %parallel_loop3A_373 : f32 to vector<16xf32>
        %parallel_loop3A_375 = arith.mulf %parallel_loop3A_372, %parallel_loop3A_374 : vector<16xf32>
        %parallel_loop3A_376 = arith.constant 16 : i32
        %parallel_loop3A_377 = arith.addi %parallel_loop3A_355, %parallel_loop3A_376 : i32
        %parallel_loop3A_378 = arith.index_cast %parallel_loop3A_377 : i32 to index
        %parallel_loop3A_379 = tpu.vector_load %arg12[%parallel_loop3A_378] {strides = array<i32>} : memref<8320xf32, #tpu.memory_space<vmem>>, vector<16xf32>,
        tpu.vector_store %arg12[%parallel_loop3A_378], %parallel_loop3A_375 {strides = array<i32>} : memref<8320xf32, #tpu.memory_space<vmem>>, vector<16xf32>,
        %parallel_loop3A_380 = arith.constant 32 : i32
        %parallel_loop3A_381 = arith.addi %parallel_loop3A_353, %parallel_loop3A_380 : i32
        %parallel_loop3A_382 = arith.index_cast %parallel_loop3A_349 : i32 to index
        %parallel_loop3A_383 = arith.index_cast %parallel_loop3A_381 : i32 to index
        %parallel_loop3A_384 = tpu.vector_load %arg11[%parallel_loop3A_382, %parallel_loop3A_383] {strides = array<i32>} : memref<128x128xf32, #tpu.memory_space<vmem>>, vector<16xf32>,
        %parallel_loop3A_385 = arith.constant 8.000000e+00 : f32
        %parallel_loop3A_386 = vector.broadcast %parallel_loop3A_385 : f32 to vector<16xf32>
        %parallel_loop3A_387 = arith.mulf %parallel_loop3A_384, %parallel_loop3A_386 : vector<16xf32>
        %parallel_loop3A_388 = arith.constant 32 : i32
        %parallel_loop3A_389 = arith.addi %parallel_loop3A_355, %parallel_loop3A_388 : i32
        %parallel_loop3A_390 = arith.index_cast %parallel_loop3A_389 : i32 to index
        %parallel_loop3A_391 = tpu.vector_load %arg12[%parallel_loop3A_390] {strides = array<i32>} : memref<8320xf32, #tpu.memory_space<vmem>>, vector<16xf32>,
        tpu.vector_store %arg12[%parallel_loop3A_390], %parallel_loop3A_387 {strides = array<i32>} : memref<8320xf32, #tpu.memory_space<vmem>>, vector<16xf32>,
        %parallel_loop3A_392 = arith.constant 48 : i32
        %parallel_loop3A_393 = arith.addi %parallel_loop3A_353, %parallel_loop3A_392 : i32
        %parallel_loop3A_394 = arith.index_cast %parallel_loop3A_349 : i32 to index
        %parallel_loop3A_395 = arith.index_cast %parallel_loop3A_393 : i32 to index
        %parallel_loop3A_396 = tpu.vector_load %arg11[%parallel_loop3A_394, %parallel_loop3A_395] {strides = array<i32>} : memref<128x128xf32, #tpu.memory_space<vmem>>, vector<16xf32>,
        %parallel_loop3A_397 = arith.constant 8.000000e+00 : f32
        %parallel_loop3A_398 = vector.broadcast %parallel_loop3A_397 : f32 to vector<16xf32>
        %parallel_loop3A_399 = arith.mulf %parallel_loop3A_396, %parallel_loop3A_398 : vector<16xf32>
        %parallel_loop3A_400 = arith.constant 48 : i32
        %parallel_loop3A_401 = arith.addi %parallel_loop3A_355, %parallel_loop3A_400 : i32
        %parallel_loop3A_402 = arith.index_cast %parallel_loop3A_401 : i32 to index
        %parallel_loop3A_403 = tpu.vector_load %arg12[%parallel_loop3A_402] {strides = array<i32>} : memref<8320xf32, #tpu.memory_space<vmem>>, vector<16xf32>,
        tpu.vector_store %arg12[%parallel_loop3A_402], %parallel_loop3A_399 {strides = array<i32>} : memref<8320xf32, #tpu.memory_space<vmem>>, vector<16xf32>,
      } {sc.loop_unroll_factor = 4 : i64, sc.parallel_access}
      %parallel_loop3A_340 = arith.constant 0 : i32
      %parallel_loop3A_341 = arith.constant 64 : i32
      %parallel_loop3A_342 = arith.constant 1 : i32
      scf.for %parallel_loop3A_349 = %parallel_loop3A_340 to %parallel_loop3A_341 step %parallel_loop3A_342  : i32 {
        %parallel_loop3A_350 = vector.broadcast %parallel_loop3A_349 : i32 to vector<16xi32>
        %parallel_loop3A_351 = arith.addi %mul3A_8, %parallel_loop3A_350 : vector<16xi32>
        %parallel_loop3A_352 = tpu.vector_load_idx %arg12[%parallel_loop3A_351] : memref<8320xf32, #tpu.memory_space<vmem>>[vector<16xi32>], vector<16xf32>,
        %parallel_loop3A_353 = arith.index_cast %parallel_loop3A_349 : i32 to index
        %parallel_loop3A_354 = arith.constant 0 : index
        %parallel_loop3A_355 = tpu.vector_load %arg14[%parallel_loop3A_353, %parallel_loop3A_354] {strides = array<i32>} : memref<64x128xf32, #tpu.memory_space<vmem>>, vector<16xf32>,
        tpu.vector_store %arg14[%parallel_loop3A_353, %parallel_loop3A_354], %parallel_loop3A_352 {strides = array<i32>} : memref<64x128xf32, #tpu.memory_space<vmem>>, vector<16xf32>,
        %parallel_loop3A_356 = vector.broadcast %parallel_loop3A_349 : i32 to vector<16xi32>
        %parallel_loop3A_357 = arith.addi %mul3A_15, %parallel_loop3A_356 : vector<16xi32>
        %parallel_loop3A_358 = tpu.vector_load_idx %arg12[%parallel_loop3A_357] : memref<8320xf32, #tpu.memory_space<vmem>>[vector<16xi32>], vector<16xf32>,
        %parallel_loop3A_359 = arith.index_cast %parallel_loop3A_349 : i32 to index
        %parallel_loop3A_360 = arith.constant 16 : index
        %parallel_loop3A_361 = tpu.vector_load %arg14[%parallel_loop3A_359, %parallel_loop3A_360] {strides = array<i32>} : memref<64x128xf32, #tpu.memory_space<vmem>>, vector<16xf32>,
        tpu.vector_store %arg14[%parallel_loop3A_359, %parallel_loop3A_360], %parallel_loop3A_358 {strides = array<i32>} : memref<64x128xf32, #tpu.memory_space<vmem>>, vector<16xf32>,
        %parallel_loop3A_362 = vector.broadcast %parallel_loop3A_349 : i32 to vector<16xi32>
        %parallel_loop3A_363 = arith.addi %mul3A_22, %parallel_loop3A_362 : vector<16xi32>
        %parallel_loop3A_364 = tpu.vector_load_idx %arg12[%parallel_loop3A_363] : memref<8320xf32, #tpu.memory_space<vmem>>[vector<16xi32>], vector<16xf32>,
        %parallel_loop3A_365 = arith.index_cast %parallel_loop3A_349 : i32 to index
        %parallel_loop3A_366 = arith.constant 32 : index
        %parallel_loop3A_367 = tpu.vector_load %arg14[%parallel_loop3A_365, %parallel_loop3A_366] {strides = array<i32>} : memref<64x128xf32, #tpu.memory_space<vmem>>, vector<16xf32>,
        tpu.vector_store %arg14[%parallel_loop3A_365, %parallel_loop3A_366], %parallel_loop3A_364 {strides = array<i32>} : memref<64x128xf32, #tpu.memory_space<vmem>>, vector<16xf32>,
        %parallel_loop3A_368 = vector.broadcast %parallel_loop3A_349 : i32 to vector<16xi32>
        %parallel_loop3A_369 = arith.addi %mul3A_29, %parallel_loop3A_368 : vector<16xi32>
        %parallel_loop3A_370 = tpu.vector_load_idx %arg12[%parallel_loop3A_369] : memref<8320xf32, #tpu.memory_space<vmem>>[vector<16xi32>], vector<16xf32>,
        %parallel_loop3A_371 = arith.index_cast %parallel_loop3A_349 : i32 to index
        %parallel_loop3A_372 = arith.constant 48 : index
        %parallel_loop3A_373 = tpu.vector_load %arg14[%parallel_loop3A_371, %parallel_loop3A_372] {strides = array<i32>} : memref<64x128xf32, #tpu.memory_space<vmem>>, vector<16xf32>,
        tpu.vector_store %arg14[%parallel_loop3A_371, %parallel_loop3A_372], %parallel_loop3A_370 {strides = array<i32>} : memref<64x128xf32, #tpu.memory_space<vmem>>, vector<16xf32>,
        %parallel_loop3A_374 = vector.broadcast %parallel_loop3A_349 : i32 to vector<16xi32>
        %parallel_loop3A_375 = arith.addi %mul3A_36, %parallel_loop3A_374 : vector<16xi32>
        %parallel_loop3A_376 = tpu.vector_load_idx %arg12[%parallel_loop3A_375] : memref<8320xf32, #tpu.memory_space<vmem>>[vector<16xi32>], vector<16xf32>,
        %parallel_loop3A_377 = arith.index_cast %parallel_loop3A_349 : i32 to index
        %parallel_loop3A_378 = arith.constant 64 : index
        %parallel_loop3A_379 = tpu.vector_load %arg14[%parallel_loop3A_377, %parallel_loop3A_378] {strides = array<i32>} : memref<64x128xf32, #tpu.memory_space<vmem>>, vector<16xf32>,
        tpu.vector_store %arg14[%parallel_loop3A_377, %parallel_loop3A_378], %parallel_loop3A_376 {strides = array<i32>} : memref<64x128xf32, #tpu.memory_space<vmem>>, vector<16xf32>,
        %parallel_loop3A_380 = vector.broadcast %parallel_loop3A_349 : i32 to vector<16xi32>
        %parallel_loop3A_381 = arith.addi %mul3A_43, %parallel_loop3A_380 : vector<16xi32>
        %parallel_loop3A_382 = tpu.vector_load_idx %arg12[%parallel_loop3A_381] : memref<8320xf32, #tpu.memory_space<vmem>>[vector<16xi32>], vector<16xf32>,
        %parallel_loop3A_383 = arith.index_cast %parallel_loop3A_349 : i32 to index
        %parallel_loop3A_384 = arith.constant 80 : index
        %parallel_loop3A_385 = tpu.vector_load %arg14[%parallel_loop3A_383, %parallel_loop3A_384] {strides = array<i32>} : memref<64x128xf32, #tpu.memory_space<vmem>>, vector<16xf32>,
        tpu.vector_store %arg14[%parallel_loop3A_383, %parallel_loop3A_384], %parallel_loop3A_382 {strides = array<i32>} : memref<64x128xf32, #tpu.memory_space<vmem>>, vector<16xf32>,
        %parallel_loop3A_386 = vector.broadcast %parallel_loop3A_349 : i32 to vector<16xi32>
        %parallel_loop3A_387 = arith.addi %mul3A_50, %parallel_loop3A_386 : vector<16xi32>
        %parallel_loop3A_388 = tpu.vector_load_idx %arg12[%parallel_loop3A_387] : memref<8320xf32, #tpu.memory_space<vmem>>[vector<16xi32>], vector<16xf32>,
        %parallel_loop3A_389 = arith.index_cast %parallel_loop3A_349 : i32 to index
        %parallel_loop3A_390 = arith.constant 96 : index
        %parallel_loop3A_391 = tpu.vector_load %arg14[%parallel_loop3A_389, %parallel_loop3A_390] {strides = array<i32>} : memref<64x128xf32, #tpu.memory_space<vmem>>, vector<16xf32>,
        tpu.vector_store %arg14[%parallel_loop3A_389, %parallel_loop3A_390], %parallel_loop3A_388 {strides = array<i32>} : memref<64x128xf32, #tpu.memory_space<vmem>>, vector<16xf32>,
        %parallel_loop3A_392 = vector.broadcast %parallel_loop3A_349 : i32 to vector<16xi32>
        %parallel_loop3A_393 = arith.addi %mul3A_57, %parallel_loop3A_392 : vector<16xi32>
        %parallel_loop3A_394 = tpu.vector_load_idx %arg12[%parallel_loop3A_393] : memref<8320xf32, #tpu.memory_space<vmem>>[vector<16xi32>], vector<16xf32>,
        %parallel_loop3A_395 = arith.index_cast %parallel_loop3A_349 : i32 to index
        %parallel_loop3A_396 = arith.constant 112 : index
        %parallel_loop3A_397 = tpu.vector_load %arg14[%parallel_loop3A_395, %parallel_loop3A_396] {strides = array<i32>} : memref<64x128xf32, #tpu.memory_space<vmem>>, vector<16xf32>,
        tpu.vector_store %arg14[%parallel_loop3A_395, %parallel_loop3A_396], %parallel_loop3A_394 {strides = array<i32>} : memref<64x128xf32, #tpu.memory_space<vmem>>, vector<16xf32>,
      } {sc.loop_unroll_factor = 2 : i64, sc.parallel_access}
      %dma_start3A_343 = arith.constant 0 : i32
      %dma_start3A_344 = tpu.memref_slice %arg4[%add3A_321, %dma_start3A_343, %mul3A_2] : memref<200x64x4096xf32, #tpu.memory_space<hbm>> -> memref<1x64x128xf32, #tpu.memory_space<hbm>>
      %dma_start3A_345 = tpu.memref_squeeze %dma_start3A_344 : memref<1x64x128xf32, #tpu.memory_space<hbm>> -> memref<64x128xf32, #tpu.memory_space<hbm>>
      %dma_start3A_346 = arith.constant 0 : i32
      %dma_start3A_347 = tpu.memref_slice %arg4[%add3A_321, %dma_start3A_346, %mul3A_2] : memref<200x64x4096xf32, #tpu.memory_space<hbm>> -> memref<1x64x128xf32, #tpu.memory_space<hbm>>
      %dma_start3A_348 = tpu.memref_squeeze %dma_start3A_347 : memref<1x64x128xf32, #tpu.memory_space<hbm>> -> memref<64x128xf32, #tpu.memory_space<hbm>>
      tpu.enqueue_dma source(%arg14 : memref<64x128xf32, #tpu.memory_space<vmem>>) target(%dma_start3A_348 : memref<64x128xf32, #tpu.memory_space<hbm>>) target_semaphore(%arg18 : memref<!tpu.dma_semaphore, #tpu.memory_space<semaphore_mem>>)
    }
    %scan3A_273 = arith.constant 100 : i32
    %dma_wait3A = arith.constant 198 : i32
    %dma_wait3A_274 = arith.constant 0 : i32
    %dma_wait3A_275 = tpu.memref_slice %arg4[%dma_wait3A, %dma_wait3A_274, %mul3A_2] : memref<200x64x4096xf32, #tpu.memory_space<hbm>> -> memref<1x64x128xf32, #tpu.memory_space<hbm>>
    %dma_wait3A_276 = tpu.memref_squeeze %dma_wait3A_275 : memref<1x64x128xf32, #tpu.memory_space<hbm>> -> memref<64x128xf32, #tpu.memory_space<hbm>>
    %dma_wait3A_277 = arith.constant 0 : i32
    %dma_wait3A_278 = tpu.memref_slice %arg4[%dma_wait3A, %dma_wait3A_277, %mul3A_2] : memref<200x64x4096xf32, #tpu.memory_space<hbm>> -> memref<1x64x128xf32, #tpu.memory_space<hbm>>
    %dma_wait3A_279 = tpu.memref_squeeze %dma_wait3A_278 : memref<1x64x128xf32, #tpu.memory_space<hbm>> -> memref<64x128xf32, #tpu.memory_space<hbm>>
    tpu.wait_dma2 semaphore(%arg17 : memref<!tpu.dma_semaphore, #tpu.memory_space<semaphore_mem>>) src(%arg13 : memref<64x128xf32, #tpu.memory_space<vmem>>) dst(%dma_wait3A_279 : memref<64x128xf32, #tpu.memory_space<hbm>>)
    %dma_wait3A_280 = arith.constant 199 : i32
    %dma_wait3A_281 = arith.constant 0 : i32
    %dma_wait3A_282 = tpu.memref_slice %arg4[%dma_wait3A_280, %dma_wait3A_281, %mul3A_2] : memref<200x64x4096xf32, #tpu.memory_space<hbm>> -> memref<1x64x128xf32, #tpu.memory_space<hbm>>
    %dma_wait3A_283 = tpu.memref_squeeze %dma_wait3A_282 : memref<1x64x128xf32, #tpu.memory_space<hbm>> -> memref<64x128xf32, #tpu.memory_space<hbm>>
    %dma_wait3A_284 = arith.constant 0 : i32
    %dma_wait3A_285 = tpu.memref_slice %arg4[%dma_wait3A_280, %dma_wait3A_284, %mul3A_2] : memref<200x64x4096xf32, #tpu.memory_space<hbm>> -> memref<1x64x128xf32, #tpu.memory_space<hbm>>
    %dma_wait3A_286 = tpu.memref_squeeze %dma_wait3A_285 : memref<1x64x128xf32, #tpu.memory_space<hbm>> -> memref<64x128xf32, #tpu.memory_space<hbm>>
    tpu.wait_dma2 semaphore(%arg18 : memref<!tpu.dma_semaphore, #tpu.memory_space<semaphore_mem>>) src(%arg14 : memref<64x128xf32, #tpu.memory_space<vmem>>) dst(%dma_wait3A_286 : memref<64x128xf32, #tpu.memory_space<hbm>>)
    return
  }
}

module attributes {stable_mosaic.version = 14 : i64} {
  func.func @_relayout_block(%arg0: i32, %arg1: memref<64x16384xf32, #tpu.memory_space<vmem>>, %arg2: memref<8192x128xf32, #tpu.memory_space<vmem>>) attributes {dimension_semantics = [#tpu.dimension_semantics<arbitrary>], iteration_bounds = array<i64: 62>, scalar_prefetch = 0 : i64, scratch_operands = 0 : i64, tpu.core_type = #tpu.core_type<tc>, window_params = [{transform_indices = @transform_0, window_bounds = array<i64: 64, 16384>}, {transform_indices = @transform_1, window_bounds = array<i64: 8192, 128>}]} {
    %get3A = arith.constant 0 : index
    %get3A_0 = arith.constant 0 : index
    %get3A_1 = vector.load %arg1[%get3A, %get3A_0] : memref<64x16384xf32, #tpu.memory_space<vmem>>, vector<64x16384xf32>
    %iota3A = tpu.iota {dimensions = array<i32: 0>} : vector<64x128xi32>
    %iota3A_2 = tpu.iota {dimensions = array<i32: 1>} : vector<64x128xi32>
    %eq3A = arith.cmpi eq, %iota3A, %iota3A_2 : vector<64x128xi32>
    %convert_element_type3A = arith.extui %eq3A : vector<64x128xi1> to vector<64x128xi32>
    %convert_element_type3A_3 = arith.sitofp %convert_element_type3A : vector<64x128xi32> to vector<64x128xf32>
    %add3A = arith.constant 64 : i32
    %add3A_4 = vector.broadcast %add3A : i32 to vector<64x128xi32>
    %add3A_5 = arith.addi %iota3A, %add3A_4 : vector<64x128xi32>
    %eq3A_6 = arith.cmpi eq, %add3A_5, %iota3A_2 : vector<64x128xi32>
    %convert_element_type3A_7 = arith.extui %eq3A_6 : vector<64x128xi1> to vector<64x128xi32>
    %convert_element_type3A_8 = arith.sitofp %convert_element_type3A_7 : vector<64x128xi32> to vector<64x128xf32>
    %slice3A = vector.extract_strided_slice %get3A_1 {offsets = [0, 0], sizes = [64, 8192], strides = [1, 1]} : vector<64x16384xf32> to vector<64x8192xf32>
    %dot_general3A = arith.constant dense<0.000000e+00> : vector<8192x128xf32>
    %dot_general3A_9 = tpu.matmul %slice3A, %convert_element_type3A_3, %dot_general3A {dimension_numbers = #tpu.dot_dimension_numbers<[0], [0], [1], [1], [0, 1, 1, 1], [], []>, transpose_lhs_hint = false} : vector<64x8192xf32>, vector<64x128xf32>, vector<8192x128xf32> -> vector<8192x128xf32>
    %slice3A_10 = vector.extract_strided_slice %get3A_1 {offsets = [0, 8192], sizes = [64, 8192], strides = [1, 1]} : vector<64x16384xf32> to vector<64x8192xf32>
    %dot_general3A_11 = arith.constant dense<0.000000e+00> : vector<8192x128xf32>
    %dot_general3A_12 = tpu.matmul %slice3A_10, %convert_element_type3A_8, %dot_general3A_11 {dimension_numbers = #tpu.dot_dimension_numbers<[0], [0], [1], [1], [0, 1, 1, 1], [], []>, transpose_lhs_hint = false} : vector<64x8192xf32>, vector<64x128xf32>, vector<8192x128xf32> -> vector<8192x128xf32>
    %add3A_13 = arith.addf %dot_general3A_9, %dot_general3A_12 : vector<8192x128xf32>
    %swap3A = arith.constant 0 : index
    %swap3A_14 = arith.constant 0 : index
    %swap3A_15 = vector.load %arg2[%swap3A, %swap3A_14] : memref<8192x128xf32, #tpu.memory_space<vmem>>, vector<8192x128xf32>
    tpu.vector_store %arg2[%swap3A, %swap3A_14], %add3A_13 {strides = array<i32>} : memref<8192x128xf32, #tpu.memory_space<vmem>>, vector<8192x128xf32>,
    return
  }
  func.func @transform_0(%arg0: i32) -> (i32, i32) {
    %c0_i32 = arith.constant 0 : i32
    %c0_i32_0 = arith.constant 0 : i32
    return %c0_i32, %arg0 : i32, i32
  }
  func.func @transform_1(%arg0: i32) -> (i32, i32) {
    %c0_i32 = arith.constant 0 : i32
    %c0_i32_0 = arith.constant 0 : i32
    return %arg0, %c0_i32 : i32, i32
  }
}

</mosaic_0001>

<sc_bundles>
// kernel: kernel.4.cloned.1.call-start
scs
__scs_entry_jumppad:
0x0: {  	(pc) =	sbr.rel $0x88, $3  }
0x1: {  	(tag) =	ssettag $0x0;
	lr =	simm.s32 $0x1  }
0x2: {  	[smem:$0x3F9F] =	sst lr;
	_ =	strace $0xD0000000  }
0x3: {  	_ = 	snop  }
0x4: {  	_ = 	snop  }
0x5: {  	_ = 	snop  }
0x6: {  	_ = 	snop  }
0x7: {  	_ = 	snop  }
__scs_overlays_trampoline_lowered:
0x8: {  	[smem:$0x3FAE] =	sst s0  }
0x9: {  	[smem:$0x3FAF] =	sst s1  }
0xa: {  	[smem:$0x3FB0] =	sst s2  }
0xb: {  	[smem:$0x3FB1] =	sst s3  }
0xc: {  	[smem:$0x3FB2] =	sst s4  }
0xd: {  	[smem:$0x3FB3] =	sst s5  }
0xe: {  	[smem:$0x3FB4] =	sst s6  }
0xf: {  	[smem:$0x3FB5] =	sst s7  }
0x10: {  	[smem:$0x3FB6] =	sst s8  }
0x11: {  	[smem:$0x3FB7] =	sst s9;
	s0 =	simm.s32 @!p0 $0x0  }
0x12: {  	s1 =	sld [smem:$0x3F9D];
	s0 =	simm.s32 @p0 $0x1  }
0x13: {  	[smem:$0x3FB8] =	sst s0;
	s0 =	simm.s32 @!p1 $0x0  }
0x14: {  	s2 =	sld [smem:$0x3F9C];
	s0 =	simm.s32 @p1 $0x1  }
0x15: {  	[smem:$0x3FB9] =	sst s0;
	s0 =	simm.s32 @!p2 $0x0  }
0x16: {  	s3 =	sld [smem:$0x3FDB];
	s0 =	simm.s32 @p2 $0x1  }
0x17: {  	s4 =	simm.s32 $0x1BF5;
	[smem:$0x3FBB] =	sst s0  }
0x18: {  	s0 =	sld [smem:$0x3F9E];
	_ =	swait.ge [sflag:s4], $0x0  }
0x19: {  	s7 =	sld [smem:$0x3F9F]  }
0x1a: {  	s8 =	sadd.s32 $0xFFFFE003, lr  }
0x1b: {  	s9 =	sadd.s32 $0xFFFFFEF7, lr;
	s5 =	simm.s32 $0xFFFFFFFF;
	p2 =	slt.u32 s8, $0xFFFFF086  }
0x1c: {  	p1 =	slt.u32 s9, $0xF7A;
	s5 =	simm.s32 @!p2 $0x0  }
0x1d: {  	s5 =	simm.s32 @p1 $0x1;
	p0 =	seq.s32 s7, s2  }
0x1e: {  	s7 =	smul.u32 @!p0 $0xF7A, s2;
	p2 =	seq.s32 @!p0 s5, $0x0  }
0x1f: {  	s9 =	smul.u32 $0xF7A, s1;
	s8 =	simm.s32 @!p0 $0x1BF5;
	p2 =	por !p2, p0  }
0x20: {  	[sflag:s8] =	ssyncset.s32 @!p0 $0xFFFFF086;
	s6 =	sadd.s32 @!p0 s3, s7;
	s7 =	simm.s32 @!p0 $0x108  }
0x21: {  	s3 =	sadd.s32 s3, s9;
	s6 =	sadd.s32 @!p0 $0x88, s6;
	s7 =	simm.s32 @p2 $0x1082  }
0x22: {  	[simem:s7], [sflag:s8] =	dma.local @!p0 [hbm:s6], $0xF7A  }
0x23: {  	s9 =	sor.u32 $0xD0000000, s2;
	s6 =	simm.s32 $0x108;
	_ =	swait.ge @!p0 [sflag:s8], $0x0  }
0x24: {  	s3 =	sadd.s32 $0x88, s3;
	s6 =	simm.s32 @!p1 $0x1082;
	[sflag:s4] =	ssyncset.s32 $0xFFFFF086  }
0x25: {  	[simem:s6], [sflag:s4] =	dma.local [hbm:s3], $0xF7A  }
0x26: {  	[smem:$0x3F9F] =	sst s1;
	(tag) =	ssettag s2;
	_ =	strace s9  }
0x27: {  	s1 =	sld [smem:$0x3FAF]  }
0x28: {  	s2 =	sld [smem:$0x3FB0]  }
0x29: {  	s4 =	sld [smem:$0x3FB2]  }
0x2a: {  	p0 =	seq.s32 s5, $0x0;
	s5 =	sld [smem:$0x3FB3]  }
0x2b: {  	s6 =	sld [smem:$0x3FB4]  }
0x2c: {  	s7 =	sld [smem:$0x3FB5]  }
0x2d: {  	s3 =	simm.s32 $0x108;
	s8 =	sld [smem:$0x3FB6]  }
0x2e: {  	s3 =	simm.s32 @!p0 $0x1082;
	s9 =	sld [smem:$0x3FB7]  }
0x2f: {  	lr =	sadd.s32 s0, s3;
	s0 =	sld [smem:$0x3FAE]  }
0x30: {  	s3 =	sld [smem:$0x3FB1]  }
0x31: {  	[smem:$0x3FBA] =	sst s10  }
0x32: {  	s10 =	sld [smem:$0x3FB8];
	_ =	sdelay $0x3  }
0x33: {  	p0 =	seq.s32 s10, $0x1;
	s10 =	sld [smem:$0x3FBA];
	_ =	sdelay $0x3  }
0x34: {  	[smem:$0x3FBA] =	sst s10  }
0x35: {  	s10 =	sld [smem:$0x3FB9];
	_ =	sdelay $0x3  }
0x36: {  	p1 =	seq.s32 s10, $0x1;
	s10 =	sld [smem:$0x3FBA];
	_ =	sdelay $0x3  }
0x37: {  	[smem:$0x3FBA] =	sst s10  }
0x38: {  	s10 =	sld [smem:$0x3FBB]  }
0x39: {  	_ = 	snop;
	(pc) =	sbr.ind lr, $3  }
0x3a: {  	_ = 	snop  }
0x3b: {  	_ = 	snop  }
0x3c: {  	p2 =	seq.s32 s10, $0x1;
	s10 =	sld [smem:$0x3FBA]  }
0x3d: {  	_ =	shalt  }
0x3e: {  	_ =	shalt  }
0x3f: {  	_ =	shalt  }
0x40: {  	_ =	shalt  }
0x41: {  	_ =	shalt  }
0x42: {  	_ =	shalt  }
0x43: {  	_ =	shalt  }
0x44: {  	_ =	shalt  }
0x45: {  	_ =	shalt  }
0x46: {  	_ =	shalt  }
0x47: {  	_ =	shalt  }
0x48: {  	_ =	shalt  }
0x49: {  	_ =	shalt  }
0x4a: {  	_ =	shalt  }
0x4b: {  	_ =	shalt  }
0x4c: {  	_ =	shalt  }
0x4d: {  	_ =	shalt  }
0x4e: {  	_ =	shalt  }
0x4f: {  	_ =	shalt  }
0x50: {  	_ =	shalt  }
0x51: {  	_ =	shalt  }
0x52: {  	_ =	shalt  }
0x53: {  	_ =	shalt  }
0x54: {  	_ =	shalt  }
0x55: {  	_ =	shalt  }
0x56: {  	_ =	shalt  }
0x57: {  	_ =	shalt  }
0x58: {  	_ =	shalt  }
0x59: {  	_ =	shalt  }
0x5a: {  	_ =	shalt  }
0x5b: {  	_ =	shalt  }
0x5c: {  	_ =	shalt  }
0x5d: {  	_ =	shalt  }
0x5e: {  	_ =	shalt  }
0x5f: {  	_ =	shalt  }
0x60: {  	_ =	shalt  }
0x61: {  	_ =	shalt  }
0x62: {  	_ =	shalt  }
0x63: {  	_ =	shalt  }
0x64: {  	_ =	shalt  }
0x65: {  	_ =	shalt  }
0x66: {  	_ =	shalt  }
0x67: {  	_ =	shalt  }
0x68: {  	_ =	shalt  }
0x69: {  	_ =	shalt  }
0x6a: {  	_ =	shalt  }
0x6b: {  	_ =	shalt  }
0x6c: {  	_ =	shalt  }
0x6d: {  	_ =	shalt  }
0x6e: {  	_ =	shalt  }
0x6f: {  	_ =	shalt  }
0x70: {  	_ =	shalt  }
0x71: {  	_ =	shalt  }
0x72: {  	_ =	shalt  }
0x73: {  	_ =	shalt  }
0x74: {  	_ =	shalt  }
0x75: {  	_ =	shalt  }
0x76: {  	_ =	shalt  }
0x77: {  	_ =	shalt  }
0x78: {  	_ =	shalt  }
0x79: {  	_ =	shalt  }
0x7a: {  	_ =	shalt  }
0x7b: {  	_ =	shalt  }
0x7c: {  	_ =	shalt  }
0x7d: {  	_ =	shalt  }
0x7e: {  	_ =	shalt  }
0x7f: {  	_ =	shalt  }
0x80: {  	_ =	shalt  }
0x81: {  	_ =	shalt  }
0x82: {  	_ =	shalt  }
0x83: {  	_ =	shalt  }
0x84: {  	_ =	shalt  }
0x85: {  	_ =	shalt  }
0x86: {  	_ =	shalt  }
0x87: {  	_ =	shalt  }
.Lfunc_end0:
.L_simem_size_0:
called_computation_lowered:
.L_overlay_start_0:
0x88: {  	s2 =	sld [smem:$0x3FD9]  }
0x89: {  	s3 =	sld [smem:$0x3FFE];
	_ =	sdelay $0x1  }
0x8a: {  	s1 =	srdreg.scid  }
0x8b: {  	s0 =	sand.u32 $0x1, s1  }
0x8c: {  	s17 =	sshll.u32 s0, $0xA;
	s2 =	sadd.s32 s3, s2  }
0x8d: {  	s2 =	sadd.s32 s2, s17  }
0x8e: {  	[smem:$0x3FC6] =	sst s2  }
0x8f: {  	_ = 	snop  }
0x90: {  	s2 =	sld [smem:$0x3FC9]  }
0x91: {  	s18 =	sld [smem:$0x3FD0];
	(tm) =	ssettm $0x1  }
0x92: {  	s4 =	sld [smem:$0x3FFB];
	_ =	sdelay $0x3  }
0x93: {  	_ =	strace s4  }
0x94: {  	s4 =	sld [smem:$0x3FFC];
	_ =	sdelay $0x3  }
0x95: {  	_ =	strace s4  }
0x96: {  	s4 =	sld [smem:$0x3FFD];
	_ =	sdelay $0x3  }
0x97: {  	_ =	strace s4  }
0x98: {  	_ =	strace $0x8FFFFFFF  }
0x99: {  	s19 =	sld [smem:$0x3FDB];
	_ =	sdelay $0x1  }
0x9a: {  	s5 =	simm.s32 $_scs_section_size  }
0x9b: {  	s6 =	simm.s32 $_size__tile_overlayer_lowered;
	s7 =	simm.s32 $_tile_overlayer_lowered  }
0x9c: {  	s22 =	simm.s32 $0x1BFF;
	s21 =	sshll.u32 s7, $0x1;
	s4 =	sadd.s32 s5, s19  }
0x9d: {  	s8 =	simm.s32 $0x0;
	s20 =	sshll.u32 s6, $0x1;
	s6 =	sadd.s32 s21, s4  }
0x9e: {  	[timem:s8], [sflag:s22] =	dma.local [hbm:s6], s20  }
0x9f: {  	_ =	swait.ge [sflag:s22], s20  }
0xa0: {  	s5 =	ssub.s32 $0x0, s20;
	[sflag:s22] =	ssyncset.done $0x0  }
0xa1: {  	[sflag:s22] =	ssyncadd.s32 s5;
	_ =	sdelay $0x1  }
0xa2: {  	s23 =	simm.s32 $0x1B8B  }
0xa3: {  	_ =	swait.ge [sflag:s23], $0x1  }
0xa4: {  	[sflag:s23] =	ssyncset.done $0x0  }
0xa5: {  	s25 =	simm.s32 $0x1B8E;
	s24 =	sld [smem:$0x3FFE];
	[sflag:s23] =	ssyncadd.s32 $0xFFFFFFFF  }
0xa6: {  	s26 =	simm.s32 $execute0_lowered;
	[smem:$0x3FD2] =	sst s25  }
0xa7: {  	s6 =	sshll.u32 s26, $0x1;
	_ =	strace $0x80000046;
	[dreg:$0x1] =	wrdreg $0xFFFFFFFF  }
0xa8: {  	s28 =	simm.s32 $_size_execute0_lowered;
	s4 =	sadd.s32 s4, s6;
	[dreg:$0x0] =	wrdreg $0x0  }
0xa9: {  	s6 =	sshll.u32 s28, $0x1;
	[dreg:$0x2] =	wrdreg s4  }
0xaa: {  	[dreg:$0x3] =	wrdreg s6  }
0xab: {  	[dreg:$0x4] =	wrdreg $0xC0  }
0xac: {  	_ =	task [dreg:s8], $0x5FFFF  }
0xad: {  	[dreg:$0x1] =	wrdreg $0xFFFFFFFF  }
0xae: {  	[dreg:$0x0] =	wrdreg $0x60  }
0xaf: {  	[dreg:$0x2] =	wrdreg s2  }
0xb0: {  	[dreg:$0x3] =	wrdreg s24  }
0xb1: {  	[dreg:$0x4] =	wrdreg s18  }
0xb2: {  	[dreg:$0x5] =	wrdreg $0x9  }
0xb3: {  	_ =	task.clear_ibuf [dreg:s8], $0x6FFFF;
	_ =	strace $0x90000046  }
0xb4: {  	s29 =	simm.s32 $0x9;
	_ =	strace $0x80000048  }
0xb5: {  	_ =	swait.ge [sflag:s29], $0x1  }
0xb6: {  	[sflag:s29] =	ssyncadd.s32 $0xFFFFFFFF  }
0xb7: {  	_ =	strace $0x90000048  }
0xb8: {  	_ =	sfence  }
0xb9: {  	s30 =	sld [smem:$0x0];
	_ =	sdelay $0x2  }
0xba: {  	s31 =	sshll.u32 s1, $0xD;
	s1 =	sshrl.u32 s1, $0x2  }
0xbb: {  	s3 =	sand.u32 $0x4000, s31;
	s1 =	sadd.s32 s1, s30  }
0xbc: {  	s0 =	sor.u32 s3, s0;
	s1 =	sshll.u32 s1, $0x11  }
0xbd: {  	s0 =	sor.u32 s1, s0  }
0xbe: {  	s0 =	sadd.s32 $0x8F2B, s0  }
0xbf: {  	[sflag:s0] =	ssyncadd.remote.s32 $0x1  }
0xc0: {  	_ =	sfence.sel $0xFFFF  }
0xc1: {  	[dreg:$0x0] =	wrdreg $0xFFFFFFFF;
	(pc) =	sbr.abs _section_cstart, $3  }
0xc2: {  	[dreg:$0x1] =	wrdreg $0xFFFFFFFF  }
0xc3: {  	_ =	task.clear_ibuf [dreg:s8], $0x2FFFF;
	_ =	strace $0x9FFFFFFF  }
0xc4: {  	(tm) =	ssettm $0x7FFFFFFF  }
0xc5: {  	_ =	shalt  }
tec
execute0_lowered:
.L_overlay_start_1:
0x0: {  	(tag) =	ssettag $0x1  }
0x1: {  	s0 =	rddreg [dreg:$0x0]  }
0x2: {  	s2 =	rddreg [dreg:$0x1]  }
0x3: {  	s1 =	rddreg [dreg:$0x2]  }
0x4: {  	s4 =	simm.s32 $0x0;
	s3 =	srdreg.scid;
	s29 =	stileid.u32  }
0x5: {  	s8 =	simm.s32 $0x400;
	s9 =	simm.s32 $0x8000;
	s11 =	simm.s32 $0x80  }
0x6: {  	s16 =	simm.s32 $0x1;
	[smem:$0x7FF] =	sst s4;
	s3 =	sand.u32 $0x1, s3  }
0x7: {  	v0 =	vlaneseq.u32;
	s4 =	sshll.u32 s29, $0xB;
	s6 =	ssub.s32 $0x2, s3;
	s3 =	sshll.u32 s3, $0xA  }
0x8: {  	s17 =	simm.s32 $0xE700;
	s19 =	simm.s32 $0x2;
	v0 =	vmul.u32 $0x41, v0;
	s4 =	sor.u32 s3, s4  }
0x9: {  	s20 =	simm.s32 $0x4;
	s7 =	sshrl.u32 s6, $0x1;
	s3 =	sshrl.u32 s4, $0x3  }
0xa: {  	s21 =	simm.s32 $0x12780;
	v1 =	vadd.s32 $0x410, v0;
	s30 =	ssub.s32 s6, s7;
	s0 =	sadd.s32 s0, s3  }
0xb: {  	_ =	strace $0x80000047;
	v2 =	vadd.s32 $0x820, v0;
	v3 =	vadd.s32 $0xC30, v0;
	v4 =	vadd.s32 $0x1040, v0;
	s31 =	smax.u32 s30, $0x1;
	[dreg:$0x4] =	wrdreg s0  }
0xc: {  	s5 =	sadd.s32 $0x400, s2;
	s2 =	simm.s32 $0x0;
	v5 =	vadd.s32 $0x1450, v0;
	v6 =	vadd.s32 $0x1860, v0;
	v7 =	vadd.s32 $0x1C70, v0;
	[dreg:$0x5] =	wrdreg s31  }
.LBB2_1:
0xd: {  	[dreg:$0x6] =	wrdreg s2  }
0xe: {  	s0 =	simm.s32 $0x0;
	s28 =	rddreg [dreg:$0x4];
	s29 =	simm.s32 $0x5  }
0xf: {  	[tilespmem:s0], [sflag:$0x5] =	stream.strided.gather [hbm4b:s28+s8], $0x6400, s9, s8, $0x38;
	[tilespmem:$0x14780] =	vst v63  }
0x10: {  	_ =	swait.ge [sflag:s29], $0x6400  }
0x11: {  	[sflag:s29] =	ssyncset.done $0x0  }
0x12: {  	[sflag:s29] =	ssyncadd.s32 $0xFFFF9C00  }
0x13: {  	v8 =	vld [tilespmem:$0x0]  }
0x14: {  	v9 =	vld [tilespmem:$0x10];
	_ =	sdelay $0x1  }
0x15: {  	v10 =	vld [tilespmem:$0x20];
	_ =	sdelay $0x1  }
0x16: {  	v13 =	vld [tilespmem:$0x30];
	v11 =	vshrl.u32 v8, $0x1;
	v12 =	vand.u32 $0x1FFF, v8;
	v8 =	vshrl.u32 v8, $0x7  }
0x17: {  	v34 =	vshrl.u32 v9, $0x1;
	v11 =	vand.u32 $0x7FFFE000, v11;
	v8 =	vand.u32 $0x40, v8  }
0x18: {  	v14 =	vld [tilespmem:$0x40];
	v36 =	vand.u32 $0x1FFF, v9;
	v35 =	vand.u32 $0x7FFFE000, v34;
	v11 =	vor.u32 v12, v11;
	[tilespmem:$0x6500] =	vst v8  }
0x19: {  	v9 =	vshrl.u32 v9, $0x7;
	v37 =	vshrl.u32 v10, $0x1;
	v8 =	vor.u32 v36, v35;
	[tilespmem:$0x6400] =	vst v11  }
0x1a: {  	v40 =	vld [tilespmem:$0x50];
	v39 =	vand.u32 $0x1FFF, v10;
	v38 =	vand.u32 $0x7FFFE000, v37;
	[tilespmem:$0x6410] =	vst v8;
	v8 =	vand.u32 $0x40, v9  }
0x1b: {  	v41 =	vshrl.u32 v10, $0x7;
	v42 =	vshrl.u32 v13, $0x1;
	[tilespmem:$0x6510] =	vst v8;
	v8 =	vor.u32 v39, v38  }
0x1c: {  	v45 =	vld [tilespmem:$0x60];
	v44 =	vand.u32 $0x1FFF, v13;
	v43 =	vand.u32 $0x7FFFE000, v42;
	[tilespmem:$0x6420] =	vst v8;
	v8 =	vand.u32 $0x40, v41  }
0x1d: {  	v46 =	vshrl.u32 v13, $0x7;
	v47 =	vshrl.u32 v14, $0x1;
	[tilespmem:$0x6520] =	vst v8;
	v8 =	vor.u32 v44, v43  }
0x1e: {  	v50 =	vld [tilespmem:$0x70];
	v49 =	vand.u32 $0x1FFF, v14;
	v48 =	vand.u32 $0x7FFFE000, v47;
	[tilespmem:$0x6430] =	vst v8;
	v8 =	vand.u32 $0x40, v46  }
0x1f: {  	v51 =	vshrl.u32 v14, $0x7;
	v52 =	vshrl.u32 v40, $0x1;
	[tilespmem:$0x6530] =	vst v8;
	v8 =	vor.u32 v49, v48  }
0x20: {  	v54 =	vand.u32 $0x1FFF, v40;
	v53 =	vand.u32 $0x7FFFE000, v52;
	[tilespmem:$0x6440] =	vst v8;
	v8 =	vand.u32 $0x40, v51  }
0x21: {  	v55 =	vshrl.u32 v40, $0x7;
	v56 =	vshrl.u32 v45, $0x1;
	[tilespmem:$0x6540] =	vst v8;
	v8 =	vor.u32 v54, v53  }
0x22: {  	v58 =	vand.u32 $0x1FFF, v45;
	v57 =	vand.u32 $0x7FFFE000, v56;
	[tilespmem:$0x6450] =	vst v8;
	v8 =	vand.u32 $0x40, v55  }
0x23: {  	v59 =	vshrl.u32 v45, $0x7;
	v60 =	vshrl.u32 v50, $0x1;
	[tilespmem:$0x6550] =	vst v8;
	v8 =	vor.u32 v58, v57  }
0x24: {  	v62 =	vand.u32 $0x1FFF, v50;
	v61 =	vand.u32 $0x7FFFE000, v60;
	[tilespmem:$0x6460] =	vst v8;
	v8 =	vand.u32 $0x40, v59  }
0x25: {  	v63 =	vshrl.u32 v50, $0x7;
	[tilespmem:$0x6560] =	vst v8;
	v8 =	vor.u32 v62, v61  }
0x26: {  	[tilespmem:$0x6470] =	vst v8;
	v8 =	vand.u32 $0x40, v63  }
0x27: {  	s30 =	simm.s32 $0x6400;
	s31 =	simm.s32 $0x6700;
	s24 =	simm.s32 $0x0;
	[tilespmem:$0x6570] =	vst v8  }
0x28: {  	[tilespmem:s31], [sflag:$0x1] =	stream.indirect.gather [hbm4b:s5+s11], $0x80, s30, s11, $0xb8;
	[tilespmem:$0x14780] =	vst v63  }
.LBB2_2:
0x29: {  	s25 =	sshllo.u32 s24, $0x1  }
0x2a: {  	s0 =	sshll.u32 s25, $0x7  }
0x2b: {  	s0 =	sand.u32 $0x3FFFFF80, s0  }
0x2c: {  	v8 =	vld [tilespmem:s0+$0x0];
	_ =	sdelay $0x4  }
0x2d: {  	v9 =	vshrl.u32 v8, $0x1;
	v10 =	vand.u32 $0x1FFF, v8;
	v8 =	vshrl.u32 v8, $0x7  }
0x2e: {  	v9 =	vand.u32 $0x7FFFE000, v9;
	v8 =	vand.u32 $0x40, v8  }
0x2f: {  	v9 =	vor.u32 v10, v9;
	[tilespmem:$0x6600] =	vst v8  }
0x30: {  	[tilespmem:$0x6480] =	vst v9  }
0x31: {  	v8 =	vld [tilespmem:s0+$0x10];
	_ =	sdelay $0x4  }
0x32: {  	v9 =	vshrl.u32 v8, $0x1;
	v10 =	vand.u32 $0x1FFF, v8;
	v8 =	vshrl.u32 v8, $0x7  }
0x33: {  	v9 =	vand.u32 $0x7FFFE000, v9;
	v8 =	vand.u32 $0x40, v8  }
0x34: {  	v9 =	vor.u32 v10, v9;
	[tilespmem:$0x6610] =	vst v8  }
0x35: {  	[tilespmem:$0x6490] =	vst v9  }
0x36: {  	v8 =	vld [tilespmem:s0+$0x20];
	_ =	sdelay $0x4  }
0x37: {  	v9 =	vshrl.u32 v8, $0x1;
	v10 =	vand.u32 $0x1FFF, v8;
	v8 =	vshrl.u32 v8, $0x7  }
0x38: {  	v9 =	vand.u32 $0x7FFFE000, v9;
	v8 =	vand.u32 $0x40, v8  }
0x39: {  	v9 =	vor.u32 v10, v9;
	[tilespmem:$0x6620] =	vst v8  }
0x3a: {  	[tilespmem:$0x64A0] =	vst v9  }
0x3b: {  	v8 =	vld [tilespmem:s0+$0x30];
	_ =	sdelay $0x4  }
0x3c: {  	v9 =	vshrl.u32 v8, $0x1;
	v10 =	vand.u32 $0x1FFF, v8;
	v8 =	vshrl.u32 v8, $0x7  }
0x3d: {  	v9 =	vand.u32 $0x7FFFE000, v9;
	v8 =	vand.u32 $0x40, v8  }
0x3e: {  	v9 =	vor.u32 v10, v9;
	[tilespmem:$0x6630] =	vst v8  }
0x3f: {  	[tilespmem:$0x64B0] =	vst v9  }
0x40: {  	v8 =	vld [tilespmem:s0+$0x40];
	_ =	sdelay $0x4  }
0x41: {  	v9 =	vshrl.u32 v8, $0x1;
	v10 =	vand.u32 $0x1FFF, v8;
	v8 =	vshrl.u32 v8, $0x7  }
0x42: {  	v9 =	vand.u32 $0x7FFFE000, v9;
	v8 =	vand.u32 $0x40, v8  }
0x43: {  	v9 =	vor.u32 v10, v9;
	[tilespmem:$0x6640] =	vst v8  }
0x44: {  	[tilespmem:$0x64C0] =	vst v9  }
0x45: {  	v8 =	vld [tilespmem:s0+$0x50];
	_ =	sdelay $0x4  }
0x46: {  	v9 =	vshrl.u32 v8, $0x1;
	v10 =	vand.u32 $0x1FFF, v8;
	v8 =	vshrl.u32 v8, $0x7  }
0x47: {  	v9 =	vand.u32 $0x7FFFE000, v9;
	v8 =	vand.u32 $0x40, v8  }
0x48: {  	v9 =	vor.u32 v10, v9;
	[tilespmem:$0x6650] =	vst v8  }
0x49: {  	[tilespmem:$0x64D0] =	vst v9  }
0x4a: {  	v8 =	vld [tilespmem:s0+$0x60];
	_ =	sdelay $0x4  }
0x4b: {  	v9 =	vshrl.u32 v8, $0x1;
	v10 =	vand.u32 $0x1FFF, v8;
	v8 =	vshrl.u32 v8, $0x7  }
0x4c: {  	v9 =	vand.u32 $0x7FFFE000, v9;
	v8 =	vand.u32 $0x40, v8  }
0x4d: {  	v9 =	vor.u32 v10, v9;
	[tilespmem:$0x6660] =	vst v8  }
0x4e: {  	[tilespmem:$0x64E0] =	vst v9  }
0x4f: {  	v8 =	vld [tilespmem:s0+$0x70];
	_ =	sdelay $0x4  }
0x50: {  	v9 =	vshrl.u32 v8, $0x1;
	v10 =	vand.u32 $0x1FFF, v8;
	v8 =	vshrl.u32 v8, $0x7  }
0x51: {  	v9 =	vand.u32 $0x7FFFE000, v9;
	v8 =	vand.u32 $0x40, v8  }
0x52: {  	v9 =	vor.u32 v10, v9;
	[tilespmem:$0x6670] =	vst v8  }
0x53: {  	s10 =	simm.s32 $0x6480;
	s2 =	simm.s32 $0xA700;
	[tilespmem:$0x64F0] =	vst v9  }
0x54: {  	[tilespmem:s2], [sflag:$0x2] =	stream.indirect.gather [hbm4b:s5+s11], $0x80, s10, s11, $0xb8;
	[tilespmem:$0x14780] =	vst v63  }
0x55: {  	_ =	swait.ge [sflag:s16], $0x4000  }
0x56: {  	p0 =	seq.s32 s24, $0x0;
	[sflag:s16] =	ssyncset.done $0x0  }
0x57: {  	s0 =	simm.s32 @!p0 $0x3;
	[sflag:s16] =	ssyncadd.s32 $0xFFFFC000  }
0x58: {  	_ =	swait.ge @!p0 [sflag:s0], $0x2000  }
0x59: {  	[sflag:s0] =	ssyncset.done @!p0 $0x0  }
0x5a: {  	s12 =	simm.s32 $0x6502;
	[sflag:s0] =	ssyncadd.s32 @!p0 $0xFFFFE000  }
0x5b: {  	v8 =	vld [tilespmem:s12+$0x1];
	_ =	sdelay $0x2  }
0x5c: {  	v9 =	vld [tilespmem:s12+$0xFFFFFFFF]  }
0x5d: {  	v10 =	vld [tilespmem:s12+$0x0]  }
0x5e: {  	v11 =	vld [tilespmem:s12+$0xFFFFFFFE];
	(v2sf) =	vpush v8, $0x0;
	_ =	sdelay $0x2  }
0x5f: {  	(v2sf) =	vpush v9, $0x0  }
0x60: {  	(v2sf) =	vpush v10, $0x0  }
0x61: {  	(v2sf) =	vpush v11, $0x0;
	_ =	sdelay $0x9  }
0x62: {  	s29 =	simm.s32 $0x6880;
	s28 =	simm.s32 $0xE782;
	s6 =	spop (v2sf)  }
0x63: {  	s31 =	simm.s32 $0x0;
	s13 =	sand.u32 $0x7F, s6;
	s3 =	sshll.u32 s6, $0x2  }
0x64: {  	s26 =	simm.s32 $0x10800;
	s3 =	sand.u32 $0xFFFFFE00, s3;
	s7 =	sshll.u32 s13, $0x2  }
0x65: {  	s0 =	spop (v2sf);
	s30 =	sadd.s32 $0x10, s6;
	s7 =	sor.u32 s7, s3  }
0x66: {  	s2 =	spop (v2sf);
	s10 =	sand.u32 $0x7F, s0;
	s7 =	sshra.s32 s7, $0x2  }
0x67: {  	s22 =	sshll.u32 s0, $0x2;
	s3 =	spop (v2sf);
	s7 =	sadd.s32 $0x6880, s7  }
0x68: {  	s23 =	sand.u32 $0x7F, s2;
	s14 =	sshll.u32 s2, $0x2;
	s22 =	sand.u32 $0xFFFFFE00, s22;
	v8 =	vld [tilespmem:s7+$0x0]  }
0x69: {  	s10 =	sshll.u32 s10, $0x2;
	s12 =	sand.u32 $0x7F, s3;
	s13 =	sshll.u32 s3, $0x2  }
0x6a: {  	s23 =	sshll.u32 s23, $0x2;
	s10 =	sor.u32 s10, s22;
	s13 =	sand.u32 $0xFFFFFE00, s13  }
0x6b: {  	s7 =	sand.u32 $0xFFFFFE00, s14;
	s14 =	sand.u32 $0x7F, s30;
	s30 =	sshll.u32 s30, $0x2  }
0x6c: {  	s12 =	sshll.u32 s12, $0x2;
	s15 =	sand.u32 $0xFFFFFE00, s30;
	s14 =	sshll.u32 s14, $0x2  }
0x6d: {  	s18 =	sadd.s32 $0x10, s3;
	s12 =	sor.u32 s12, s13;
	s13 =	sor.u32 s14, s15;
	v8 =	vmul.f32 $8.000000000e+00, v8  }
0x6e: {  	s22 =	sadd.s32 $0x10, s2;
	s10 =	sshra.s32 s10, $0x2;
	s13 =	sshra.s32 s13, $0x2  }
0x6f: {  	s10 =	sadd.s32 $0x6880, s10;
	s12 =	sshra.s32 s12, $0x2;
	s13 =	sadd.s32 $0x6880, s13;
	[tilespmem:s28+$0x41] =	vst v8  }
0x70: {  	s7 =	sor.u32 s23, s7;
	s23 =	sadd.s32 $0x10, s0;
	s12 =	sadd.s32 $0x6880, s12;
	v8 =	vld [tilespmem:s13+$0x0]  }
0x71: {  	s30 =	sadd.s32 $0x20, s6;
	s7 =	sshra.s32 s7, $0x2;
	s14 =	sshll.u32 s18, $0x2;
	v9 =	vld [tilespmem:s12+$0xFFFFFE80]  }
0x72: {  	v10 =	vld [tilespmem:s10+$0xFFFFFF00];
	s10 =	sand.u32 $0x7F, s23;
	s15 =	sand.u32 $0x7F, s30;
	s7 =	sadd.s32 $0x6880, s7  }
0x73: {  	s12 =	sand.u32 $0x7F, s18;
	v11 =	vld [tilespmem:s7+$0xFFFFFF80];
	s13 =	sshll.u32 s23, $0x2;
	s23 =	sshll.u32 s30, $0x2  }
0x74: {  	s18 =	sand.u32 $0x7F, s22;
	s7 =	sshll.u32 s15, $0x2;
	s23 =	sand.u32 $0xFFFFFE00, s23  }
0x75: {  	s14 =	sand.u32 $0xFFFFFE00, s14;
	s22 =	sshll.u32 s22, $0x2;
	s7 =	sor.u32 s7, s23;
	v8 =	vmul.f32 $8.000000000e+00, v8  }
0x76: {  	s10 =	sshll.u32 s10, $0x2;
	s12 =	sshll.u32 s12, $0x2;
	v9 =	vmul.f32 $8.000000000e+00, v9;
	s7 =	sshra.s32 s7, $0x2  }
0x77: {  	s22 =	sand.u32 $0xFFFFFE00, s22;
	v10 =	vmul.f32 $8.000000000e+00, v10;
	s13 =	sand.u32 $0xFFFFFE00, s13;
	s7 =	sadd.s32 $0x6880, s7;
	[tilespmem:s28+$0x51] =	vst v8  }
0x78: {  	s12 =	sor.u32 s12, s14;
	[tilespmem:s28+$0xFFFFFF7E] =	vst v9;
	s13 =	sor.u32 s10, s13;
	v9 =	vmul.f32 $8.000000000e+00, v11;
	s23 =	sshll.u32 s18, $0x2;
	v8 =	vld [tilespmem:s7+$0x0]  }
0x79: {  	[tilespmem:s28+$0xFFFFFFBF] =	vst v10;
	s10 =	sshra.s32 s12, $0x2;
	s13 =	sshra.s32 s13, $0x2;
	s30 =	sor.u32 s23, s22  }
0x7a: {  	[tilespmem:s28+$0x0] =	vst v9;
	s12 =	sshra.s32 s30, $0x2;
	s7 =	sadd.s32 $0x30, s6;
	s6 =	simm.s32 $0x6506  }
.LBB2_3:
0x7b: {  	v9 =	vld [tilespmem:s6+$0x1];
	s31 =	sadd.s32 $0x4, s31;
	s14 =	sand.u32 $0x7F, s7;
	s7 =	sshll.u32 s7, $0x2  }
0x7c: {  	v10 =	vld [tilespmem:s6+$0xFFFFFFFF];
	p1 =	slt.u32 s31, $0x7C;
	s7 =	sand.u32 $0xFFFFFE00, s7;
	s14 =	sshll.u32 s14, $0x2  }
0x7d: {  	s10 =	sadd.s32 s10, s29;
	s13 =	sadd.s32 s13, s29;
	v11 =	vld [tilespmem:s6+$0x0];
	v8 =	vmul.f32 $8.000000000e+00, v8;
	s7 =	sor.u32 s14, s7  }
0x7e: {  	s12 =	sadd.s32 s12, s29;
	s14 =	sadd.s32 $0x20, s3;
	v12 =	vld [tilespmem:s6+$0xFFFFFFFE];
	s7 =	sshra.s32 s7, $0x2  }
0x7f: {  	s22 =	sadd.s32 $0x20, s2;
	v13 =	vld [tilespmem:s10+$0xFFFFFE80];
	s10 =	sadd.s32 $0x20, s0;
	[tilespmem:s28+$0x61] =	vst v8;
	s7 =	sadd.s32 s7, s29  }
0x80: {  	s23 =	sand.u32 $0x7F, s14;
	s14 =	sshll.u32 s14, $0x2;
	(v2sf) =	vpush v9, $0x0;
	s30 =	sand.u32 $0x7F, s10;
	v8 =	vld [tilespmem:s7+$0x0]  }
0x81: {  	s7 =	sshll.u32 s10, $0x2;
	s10 =	sand.u32 $0x7F, s22;
	(v2sf) =	vpush v10, $0x0;
	v9 =	vld [tilespmem:s13+$0xFFFFFF00];
	s13 =	sshll.u32 s22, $0x2  }
0x82: {  	s14 =	sand.u32 $0xFFFFFE00, s14;
	s22 =	sshll.u32 s23, $0x2;
	s7 =	sand.u32 $0xFFFFFE00, s7;
	(v2sf) =	vpush v11, $0x0;
	v10 =	vld [tilespmem:s12+$0xFFFFFF80]  }
0x83: {  	s10 =	sshll.u32 s10, $0x2;
	s12 =	sshll.u32 s30, $0x2;
	s13 =	sand.u32 $0xFFFFFE00, s13;
	(v2sf) =	vpush v12, $0x0  }
0x84: {  	s14 =	sor.u32 s22, s14;
	s7 =	sor.u32 s12, s7;
	s10 =	sor.u32 s10, s13;
	v11 =	vmul.f32 $8.000000000e+00, v13  }
0x85: {  	s12 =	sshra.s32 s14, $0x2;
	s7 =	sshra.s32 s7, $0x2;
	s10 =	sshra.s32 s10, $0x2;
	v8 =	vmul.f32 $8.000000000e+00, v8  }
0x86: {  	s12 =	sadd.s32 s12, s29;
	s7 =	sadd.s32 s7, s29;
	s10 =	sadd.s32 s10, s29;
	[tilespmem:s28+$0xFFFFFF8E] =	vst v11;
	v9 =	vmul.f32 $8.000000000e+00, v9  }
0x87: {  	s2 =	sadd.s32 $0x30, s2;
	s3 =	sadd.s32 $0x30, s3;
	s0 =	sadd.s32 $0x30, s0;
	v11 =	vld [tilespmem:s12+$0xFFFFFE80];
	v10 =	vmul.f32 $8.000000000e+00, v10;
	[tilespmem:s28+$0x71] =	vst v8  }
0x88: {  	s13 =	sand.u32 $0x7F, s0;
	s12 =	sand.u32 $0x7F, s3;
	s3 =	sshll.u32 s3, $0x2;
	[tilespmem:s28+$0xFFFFFFCF] =	vst v9  }
0x89: {  	s0 =	sshll.u32 s0, $0x2;
	v8 =	vld [tilespmem:s7+$0xFFFFFF00];
	[tilespmem:s28+$0x10] =	vst v10;
	s7 =	sand.u32 $0x7F, s2;
	s2 =	sshll.u32 s2, $0x2  }
0x8a: {  	s0 =	sand.u32 $0xFFFFFE00, s0;
	s3 =	sand.u32 $0xFFFFFE00, s3;
	s12 =	sshll.u32 s12, $0x2;
	v9 =	vld [tilespmem:s10+$0xFFFFFF80]  }
0x8b: {  	s10 =	sshll.u32 s13, $0x2;
	s2 =	sand.u32 $0xFFFFFE00, s2;
	s7 =	sshll.u32 s7, $0x2  }
0x8c: {  	s3 =	sor.u32 s12, s3;
	s0 =	sor.u32 s10, s0;
	s2 =	sor.u32 s7, s2;
	v10 =	vmul.f32 $8.000000000e+00, v11  }
0x8d: {  	s3 =	sshra.s32 s3, $0x2;
	s0 =	sshra.s32 s0, $0x2;
	s2 =	sshra.s32 s2, $0x2  }
0x8e: {  	s3 =	sadd.s32 s3, s29;
	s10 =	sadd.s32 s0, s29;
	s12 =	sadd.s32 s2, s29;
	[tilespmem:s28+$0xFFFFFF9E] =	vst v10;
	v8 =	vmul.f32 $8.000000000e+00, v8  }
0x8f: {  	s30 =	simm.s32 $0x0;
	s29 =	sadd.s32 $0x200, s29;
	s7 =	spop (v2sf);
	v10 =	vld [tilespmem:s3+$0xFFFFFE80];
	v9 =	vmul.f32 $8.000000000e+00, v9  }
0x90: {  	s2 =	sand.u32 $0x7F, s7;
	s3 =	sshll.u32 s7, $0x2;
	s0 =	spop (v2sf);
	[tilespmem:s28+$0xFFFFFFDF] =	vst v8  }
0x91: {  	s3 =	sand.u32 $0xFFFFFE00, s3;
	s13 =	sshll.u32 s2, $0x2;
	s2 =	spop (v2sf);
	v8 =	vld [tilespmem:s10+$0xFFFFFF00];
	[tilespmem:s28+$0x20] =	vst v9  }
0x92: {  	s10 =	sand.u32 $0x7F, s0;
	s13 =	sor.u32 s13, s3;
	s3 =	spop (v2sf);
	v9 =	vld [tilespmem:s12+$0xFFFFFF80]  }
0x93: {  	s22 =	sshll.u32 s0, $0x2;
	s12 =	sand.u32 $0x7F, s3;
	s13 =	sshra.s32 s13, $0x2  }
0x94: {  	s23 =	sand.u32 $0x7F, s2;
	s14 =	sshll.u32 s3, $0x2;
	s13 =	sadd.s32 s13, s29;
	v10 =	vmul.f32 $8.000000000e+00, v10  }
0x95: {  	s15 =	sshll.u32 s2, $0x2;
	s10 =	sshll.u32 s10, $0x2;
	s14 =	sand.u32 $0xFFFFFE00, s14;
	v11 =	vld [tilespmem:s13+$0x0]  }
0x96: {  	s15 =	sand.u32 $0xFFFFFE00, s15;
	s12 =	sshll.u32 s12, $0x2;
	s13 =	sand.u32 $0xFFFFFE00, s22;
	[tilespmem:s28+$0xFFFFFFAE] =	vst v10;
	v8 =	vmul.f32 $8.000000000e+00, v8  }
0x97: {  	s22 =	sshll.u32 s23, $0x2;
	s23 =	sadd.s32 $0x10, s7;
	s12 =	sor.u32 s12, s14;
	v9 =	vmul.f32 $8.000000000e+00, v9  }
0x98: {  	s14 =	sand.u32 $0x7F, s23;
	s23 =	sshll.u32 s23, $0x2;
	s10 =	sor.u32 s10, s13;
	[tilespmem:s28+$0xFFFFFFEF] =	vst v8  }
0x99: {  	s12 =	sshra.s32 s12, $0x2;
	s13 =	sand.u32 $0xFFFFFE00, s23;
	s14 =	sshll.u32 s14, $0x2;
	[tilespmem:s28+$0x30] =	vst v9  }
0x9a: {  	s15 =	sor.u32 s22, s15;
	s22 =	sadd.s32 $0x10, s2;
	s13 =	sor.u32 s14, s13;
	v8 =	vmul.f32 $8.000000000e+00, v11  }
0x9b: {  	s10 =	sshra.s32 s10, $0x2;
	s13 =	sshra.s32 s13, $0x2;
	s28 =	sadd.s32 $0x104, s28  }
0x9c: {  	s12 =	sadd.s32 s12, s29;
	s14 =	sshra.s32 s15, $0x2;
	s13 =	sadd.s32 s13, s29;
	[tilespmem:s28+$0x41] =	vst v8  }
0x9d: {  	s15 =	sadd.s32 $0x10, s3;
	s10 =	sadd.s32 s10, s29;
	s14 =	sadd.s32 s14, s29;
	v8 =	vld [tilespmem:s13+$0x0]  }
0x9e: {  	s23 =	sadd.s32 $0x20, s7;
	s13 =	sadd.s32 $0x10, s0;
	v9 =	vld [tilespmem:s12+$0xFFFFFE80];
	s12 =	sand.u32 $0x7F, s15  }
0x9f: {  	s18 =	sand.u32 $0x7F, s22;
	s15 =	sshll.u32 s15, $0x2;
	v10 =	vld [tilespmem:s10+$0xFFFFFF00];
	s10 =	sand.u32 $0x7F, s13  }
0xa0: {  	s13 =	sshll.u32 s13, $0x2;
	v11 =	vld [tilespmem:s14+$0xFFFFFF80];
	s14 =	sand.u32 $0x7F, s23;
	s23 =	sshll.u32 s23, $0x2  }
0xa1: {  	s22 =	sshll.u32 s22, $0x2;
	s23 =	sand.u32 $0xFFFFFE00, s23;
	s14 =	sshll.u32 s14, $0x2  }
0xa2: {  	s15 =	sand.u32 $0xFFFFFE00, s15;
	s12 =	sshll.u32 s12, $0x2;
	v8 =	vmul.f32 $8.000000000e+00, v8;
	s14 =	sor.u32 s14, s23  }
.Ltmp0:
0xa3: {  	s13 =	sand.u32 $0xFFFFFE00, s13;
	v9 =	vmul.f32 $8.000000000e+00, v9;
	s14 =	sshra.s32 s14, $0x2;
	(pc) =	sbr.rel @p1 .LBB2_3-.Ltmp0, $4  }
0xa4: {  	s22 =	sand.u32 $0xFFFFFE00, s22;
	s10 =	sshll.u32 s10, $0x2;
	v10 =	vmul.f32 $8.000000000e+00, v10;
	[tilespmem:s28+$0x51] =	vst v8;
	s14 =	sadd.s32 s14, s29  }
0xa5: {  	s12 =	sor.u32 s12, s15;
	s15 =	sshll.u32 s18, $0x2;
	s13 =	sor.u32 s10, s13;
	[tilespmem:s28+$0xFFFFFF7E] =	vst v9;
	v9 =	vmul.f32 $8.000000000e+00, v11;
	v8 =	vld [tilespmem:s14+$0x0]  }
0xa6: {  	s10 =	sshra.s32 s12, $0x2;
	s12 =	sor.u32 s15, s22;
	s13 =	sshra.s32 s13, $0x2;
	[tilespmem:s28+$0xFFFFFFBF] =	vst v10  }
0xa7: {  	s6 =	sadd.s32 $0x4, s6;
	s7 =	sadd.s32 $0x30, s7;
	s12 =	sshra.s32 s12, $0x2;
	[tilespmem:s28+$0x0] =	vst v9  }
0xa8: {  	s6 =	sand.u32 $0x7F, s7  }
0xa9: {  	s18 =	sshll.u32 s7, $0x2;
	s10 =	sadd.s32 s10, s29;
	s13 =	sadd.s32 s13, s29  }
0xaa: {  	s22 =	sadd.s32 $0x20, s3;
	s12 =	sadd.s32 s12, s29;
	s23 =	sadd.s32 $0x20, s0  }
0xab: {  	s14 =	sadd.s32 $0x20, s2;
	s7 =	sand.u32 $0xFFFFFE00, s18;
	s6 =	sshll.u32 s6, $0x2;
	v9 =	vld [tilespmem:s10+$0xFFFFFE80]  }
0xac: {  	s15 =	sand.u32 $0x7F, s22;
	v10 =	vld [tilespmem:s13+$0xFFFFFF00];
	s18 =	sand.u32 $0x7F, s23;
	s10 =	sshll.u32 s23, $0x2  }
0xad: {  	v11 =	vld [tilespmem:s12+$0xFFFFFF80];
	s23 =	sadd.s32 $0x30, s3;
	s6 =	sor.u32 s6, s7;
	s7 =	sshll.u32 s22, $0x2  }
0xae: {  	s22 =	sand.u32 $0x7F, s14;
	s14 =	sshll.u32 s14, $0x2;
	s15 =	sshll.u32 s15, $0x2  }
0xaf: {  	s10 =	sand.u32 $0xFFFFFE00, s10;
	s13 =	sshll.u32 s18, $0x2;
	s7 =	sand.u32 $0xFFFFFE00, s7  }
0xb0: {  	s3 =	sshll.u32 s23, $0x2;
	s14 =	sand.u32 $0xFFFFFE00, s14;
	s7 =	sor.u32 s15, s7;
	v9 =	vmul.f32 $8.000000000e+00, v9  }
0xb1: {  	s12 =	sshll.u32 s22, $0x2;
	s10 =	sor.u32 s13, s10;
	s7 =	sshra.s32 s7, $0x2;
	v10 =	vmul.f32 $8.000000000e+00, v10  }
0xb2: {  	s12 =	sor.u32 s12, s14;
	s10 =	sshra.s32 s10, $0x2;
	s7 =	sadd.s32 s7, s29;
	[tilespmem:s28+$0xFFFFFF8E] =	vst v9;
	v9 =	vmul.f32 $8.000000000e+00, v11  }
0xb3: {  	s6 =	sshra.s32 s6, $0x2;
	s12 =	sshra.s32 s12, $0x2;
	s10 =	sadd.s32 s10, s29;
	[tilespmem:s28+$0xFFFFFFCF] =	vst v10;
	v11 =	vld [tilespmem:s7+$0xFFFFFE80]  }
0xb4: {  	s13 =	sadd.s32 $0x30, s2;
	s3 =	sand.u32 $0xFFFFFE00, s3;
	s12 =	sadd.s32 s12, s29;
	v10 =	vld [tilespmem:s10+$0xFFFFFF00];
	[tilespmem:s28+$0x10] =	vst v9  }
0xb5: {  	s6 =	sadd.s32 s6, s29;
	s14 =	sand.u32 $0x7F, s23;
	s2 =	sshll.u32 s13, $0x2;
	v9 =	vld [tilespmem:s12+$0xFFFFFF80]  }
0xb6: {  	s18 =	sand.u32 $0x7F, s13;
	s2 =	sand.u32 $0xFFFFFE00, s2;
	s7 =	sadd.s32 $0x30, s0  }
0xb7: {  	v8 =	vmul.f32 $8.000000000e+00, v8;
	s15 =	sand.u32 $0x7F, s7;
	s0 =	sshll.u32 s7, $0x2;
	s7 =	sshll.u32 s14, $0x2  }
0xb8: {  	s0 =	sand.u32 $0xFFFFFE00, s0;
	s10 =	sshll.u32 s15, $0x2;
	s3 =	sor.u32 s7, s3;
	v11 =	vmul.f32 $8.000000000e+00, v11  }
0xb9: {  	[tilespmem:s28+$0x61] =	vst v8;
	s22 =	sshll.u32 s18, $0x2;
	s0 =	sor.u32 s10, s0;
	s3 =	sshra.s32 s3, $0x2;
	v8 =	vmul.f32 $8.000000000e+00, v10  }
0xba: {  	s2 =	sor.u32 s22, s2;
	s0 =	sshra.s32 s0, $0x2;
	s3 =	sadd.s32 s3, s29;
	v10 =	vld [tilespmem:s6+$0x0];
	[tilespmem:s28+$0xFFFFFF9E] =	vst v11;
	v9 =	vmul.f32 $8.000000000e+00, v9  }
0xbb: {  	s2 =	sshra.s32 s2, $0x2;
	s0 =	sadd.s32 s0, s29;
	[tilespmem:s28+$0xFFFFFFDF] =	vst v8;
	v11 =	vld [tilespmem:s3+$0xFFFFFE80]  }
0xbc: {  	s2 =	sadd.s32 s2, s29;
	v8 =	vld [tilespmem:s0+$0xFFFFFF00];
	[tilespmem:s28+$0x20] =	vst v9  }
0xbd: {  	v9 =	vld [tilespmem:s2+$0xFFFFFF80];
	_ =	sdelay $0x1  }
0xbe: {  	s23 =	simm.s32 $0x1;
	v10 =	vmul.f32 $8.000000000e+00, v10  }
0xbf: {  	v12 =	vadd.s32 s23, v0;
	v11 =	vmul.f32 $8.000000000e+00, v11  }
0xc0: {  	[tilespmem:s28+$0x71] =	vst v10;
	v8 =	vmul.f32 $8.000000000e+00, v8  }
0xc1: {  	[tilespmem:s28+$0xFFFFFFAE] =	vst v11;
	v9 =	vmul.f32 $8.000000000e+00, v9  }
0xc2: {  	[tilespmem:s28+$0xFFFFFFEF] =	vst v8  }
0xc3: {  	[tilespmem:s28+$0x30] =	vst v9  }
0xc4: {  	v8 =	vld.idx.msk [tilespmem:v12+s17+$0x0], $0xffff  }
0xc5: {  	v9 =	vadd.s32 s23, v1  }
0xc6: {  	v10 =	vadd.s32 s30, v0;
	_ =	sdelay $0x1  }
0xc7: {  	s10 =	simm.s32 $0x3  }
0xc8: {  	v12 =	vadd.s32 s10, v0;
	[tilespmem:s26+$0x0] =	vst v8  }
0xc9: {  	v8 =	vld.idx.msk [tilespmem:v9+s17+$0x0], $0xffff  }
0xca: {  	v9 =	vld.idx.msk [tilespmem:v10+s17+$0x0], $0xffff;
	v10 =	vadd.s32 s23, v2  }
0xcb: {  	v11 =	vadd.s32 s30, v1;
	_ =	sdelay $0x1  }
0xcc: {  	v12 =	vld.idx.msk [tilespmem:v12+s17+$0x0], $0xffff  }
0xcd: {  	v14 =	vadd.s32 s10, v1;
	s2 =	simm.s32 $0x2;
	[tilespmem:s26+$0x10] =	vst v8  }
0xce: {  	v8 =	vadd.s32 s2, v0;
	[tilespmem:s26+$0xFFFFFF80] =	vst v9;
	v9 =	vld.idx.msk [tilespmem:v10+s17+$0x0], $0xffff  }
0xcf: {  	v10 =	vld.idx.msk [tilespmem:v11+s17+$0x0], $0xffff;
	v11 =	vadd.s32 s23, v3  }
0xd0: {  	s0 =	simm.s32 $0x10900  }
0xd1: {  	v13 =	vadd.s32 s30, v2;
	[tilespmem:s0+$0x0] =	vst v12  }
0xd2: {  	v14 =	vld.idx.msk [tilespmem:v14+s17+$0x0], $0xffff  }
0xd3: {  	v15 =	vadd.s32 s10, v2;
	v8 =	vld.idx.msk [tilespmem:v8+s17+$0x0], $0xffff;
	[tilespmem:s26+$0x20] =	vst v9  }
0xd4: {  	[tilespmem:s26+$0xFFFFFF90] =	vst v10;
	v9 =	vadd.s32 s2, v1;
	v10 =	vld.idx.msk [tilespmem:v11+s17+$0x0], $0xffff  }
0xd5: {  	v12 =	vadd.s32 s23, v4  }
0xd6: {  	v11 =	vld.idx.msk [tilespmem:v13+s17+$0x0], $0xffff  }
0xd7: {  	s28 =	simm.s32 $0x5;
	[tilespmem:s0+$0x10] =	vst v14;
	v13 =	vadd.s32 s30, v3  }
0xd8: {  	s3 =	simm.s32 $0x4;
	v14 =	vld.idx.msk [tilespmem:v15+s17+$0x0], $0xffff;
	[tilespmem:s0+$0xFFFFFF80] =	vst v8;
	v8 =	vadd.s32 s28, v0  }
0xd9: {  	v16 =	vadd.s32 s3, v0;
	v9 =	vld.idx.msk [tilespmem:v9+s17+$0x0], $0xffff;
	[tilespmem:s26+$0x30] =	vst v10  }
0xda: {  	v17 =	vadd.s32 s10, v3;
	v10 =	vld.idx.msk [tilespmem:v12+s17+$0x0], $0xffff  }
0xdb: {  	[tilespmem:s26+$0xFFFFFFA0] =	vst v11;
	v11 =	vadd.s32 s2, v2  }
0xdc: {  	v12 =	vld.idx.msk [tilespmem:v13+s17+$0x0], $0xffff;
	v13 =	vadd.s32 s23, v5  }
0xdd: {  	v15 =	vadd.s32 s30, v4;
	[tilespmem:s0+$0x20] =	vst v14;
	v8 =	vld.idx.msk [tilespmem:v8+s17+$0x0], $0xffff  }
0xde: {  	s31 =	simm.s32 $0x6;
	v16 =	vld.idx.msk [tilespmem:v16+s17+$0x0], $0xffff;
	[tilespmem:s0+$0xFFFFFF90] =	vst v9;
	v9 =	vadd.s32 s28, v1  }
0xdf: {  	v17 =	vld.idx.msk [tilespmem:v17+s17+$0x0], $0xffff;
	[tilespmem:s26+$0x40] =	vst v10;
	v10 =	vadd.s32 s31, v0  }
0xe0: {  	v18 =	vadd.s32 s10, v4;
	v11 =	vld.idx.msk [tilespmem:v11+s17+$0x0], $0xffff  }
0xe1: {  	s29 =	simm.s32 $0x10A00;
	[tilespmem:s26+$0xFFFFFFB0] =	vst v12;
	v12 =	vld.idx.msk [tilespmem:v13+s17+$0x0], $0xffff;
	v13 =	vadd.s32 s3, v1  }
0xe2: {  	v14 =	vld.idx.msk [tilespmem:v15+s17+$0x0], $0xffff;
	v15 =	vadd.s32 s23, v6;
	[tilespmem:s29+$0x0] =	vst v8  }
0xe3: {  	[tilespmem:s29+$0xFFFFFF80] =	vst v16;
	v8 =	vadd.s32 s2, v3;
	v9 =	vld.idx.msk [tilespmem:v9+s17+$0x0], $0xffff  }
0xe4: {  	[tilespmem:s0+$0x30] =	vst v17;
	v19 =	vld.idx.msk [tilespmem:v10+s17+$0x0], $0xffff;
	v10 =	vadd.s32 s30, v5  }
0xe5: {  	s6 =	simm.s32 $0x7;
	v16 =	vadd.s32 s28, v2;
	v17 =	vld.idx.msk [tilespmem:v18+s17+$0x0], $0xffff;
	[tilespmem:s0+$0xFFFFFFA0] =	vst v11  }
0xe6: {  	v13 =	vld.idx.msk [tilespmem:v13+s17+$0x0], $0xffff;
	[tilespmem:s26+$0x50] =	vst v12;
	v12 =	vadd.s32 s6, v0  }
0xe7: {  	[tilespmem:s26+$0xFFFFFFC0] =	vst v14;
	v14 =	vadd.s32 s3, v2;
	v11 =	vld.idx.msk [tilespmem:v15+s17+$0x0], $0xffff  }
0xe8: {  	v8 =	vld.idx.msk [tilespmem:v8+s17+$0x0], $0xffff;
	v15 =	vadd.s32 s23, v7  }
0xe9: {  	[tilespmem:s29+$0x10] =	vst v9;
	v9 =	vld.idx.msk [tilespmem:v10+s17+$0x0], $0xffff;
	v10 =	vadd.s32 s10, v5  }
0xea: {  	v18 =	vadd.s32 s2, v4;
	[tilespmem:s0+$0x40] =	vst v17;
	v16 =	vld.idx.msk [tilespmem:v16+s17+$0x0], $0xffff  }
0xeb: {  	v20 =	vadd.s32 s28, v3;
	v12 =	vld.idx.msk [tilespmem:v12+s17+$0x0], $0xffff;
	[tilespmem:s29+$0xFFFFFF90] =	vst v13  }
0xec: {  	v23 =	vadd.s32 s31, v1;
	s22 =	simm.s32 $0x10B00;
	[tilespmem:s26+$0x60] =	vst v11;
	v22 =	vld.idx.msk [tilespmem:v14+s17+$0x0], $0xffff  }
0xed: {  	[tilespmem:s22+$0xFFFFFF80] =	vst v19;
	v11 =	vadd.s32 s30, v6;
	v21 =	vld.idx.msk [tilespmem:v15+s17+$0x0], $0xffff  }
0xee: {  	s7 =	simm.s32 $0x8;
	[tilespmem:s0+$0xFFFFFFB0] =	vst v8;
	v15 =	vadd.s32 s6, v1;
	v17 =	vld.idx.msk [tilespmem:v10+s17+$0x0], $0xffff  }
0xef: {  	v8 =	vadd.s32 s7, v0;
	[tilespmem:s29+$0x20] =	vst v16;
	v10 =	vld.idx.msk [tilespmem:v18+s17+$0x0], $0xffff  }
0xf0: {  	v16 =	vadd.s32 s10, v6;
	[tilespmem:s26+$0xFFFFFFD0] =	vst v9;
	v13 =	vld.idx.msk [tilespmem:v20+s17+$0x0], $0xffff  }
0xf1: {  	v18 =	vadd.s32 s3, v3;
	[tilespmem:s22+$0x0] =	vst v12;
	v12 =	vld.idx.msk [tilespmem:v23+s17+$0x0], $0xffff  }
0xf2: {  	v19 =	vadd.s32 s28, v4;
	v9 =	vld.idx.msk [tilespmem:v11+s17+$0x0], $0xffff  }
0xf3: {  	v14 =	vadd.s32 s2, v5;
	[tilespmem:s29+$0xFFFFFFA0] =	vst v22;
	v15 =	vld.idx.msk [tilespmem:v15+s17+$0x0], $0xffff  }
0xf4: {  	v8 =	vld.idx.msk [tilespmem:v8+s17+$0x0], $0xffff;
	v11 =	vadd.s32 s6, v2;
	[tilespmem:s0+$0x50] =	vst v17  }
0xf5: {  	s12 =	simm.s32 $0xA;
	s23 =	simm.s32 $0x9;
	[tilespmem:s26+$0x70] =	vst v21;
	v17 =	vld.idx.msk [tilespmem:v16+s17+$0x0], $0xffff;
	v16 =	vadd.s32 s30, v7;
	s30 =	simm.s32 $0x10B00  }
.LBB2_5:
0xf6: {  	p1 =	slt.u32 s12, $0x3E;
	v20 =	vadd.s32 s23, v0;
	v18 =	vld.idx.msk [tilespmem:v18+s17+$0x0], $0xffff;
	[tilespmem:s29+$0x30] =	vst v13;
	s13 =	smov.u32 s3;
	s3 =	smov.u32 s31  }
0xf7: {  	v13 =	vld.idx.msk [tilespmem:v19+s17+$0x0], $0xffff;
	[tilespmem:s0+$0xFFFFFFC0] =	vst v10;
	v10 =	vadd.s32 s10, v7;
	s10 =	smov.u32 s28;
	s28 =	smov.u32 s6;
	s6 =	smov.u32 s23  }
0xf8: {  	s31 =	smov.u32 s7;
	s7 =	smov.u32 s12;
	v19 =	vadd.s32 s3, v2;
	[tilespmem:s22+$0x10] =	vst v15;
	v14 =	vld.idx.msk [tilespmem:v14+s17+$0x0], $0xffff  }
0xf9: {  	v15 =	vadd.s32 s10, v5;
	v11 =	vld.idx.msk [tilespmem:v11+s17+$0x0], $0xffff;
	[tilespmem:s26+$0xFFFFFFE0] =	vst v9  }
0xfa: {  	v9 =	vadd.s32 s13, v4;
	[tilespmem:s22+$0xFFFFFF90] =	vst v12;
	v12 =	vld.idx.msk [tilespmem:v16+s17+$0x0], $0xffff  }
0xfb: {  	v16 =	vld.idx.msk [tilespmem:v20+s17+$0x0], $0xffff;
	v20 =	vadd.s32 s28, v3;
	[tilespmem:s0+$0x60] =	vst v17  }
0xfc: {  	v17 =	vadd.s32 s2, v6;
	[tilespmem:s29+$0xFFFFFFB0] =	vst v18;
	v21 =	vld.idx.msk [tilespmem:v10+s17+$0x0], $0xffff  }
0xfd: {  	v22 =	vadd.s32 s6, v1;
	v23 =	vld.idx.msk [tilespmem:v19+s17+$0x0], $0xffff;
	[tilespmem:s29+$0x40] =	vst v13  }
0xfe: {  	v24 =	vadd.s32 s12, v0;
	v25 =	vld.idx.msk [tilespmem:v15+s17+$0x0], $0xffff;
	[tilespmem:s0+$0xFFFFFFD0] =	vst v14  }
0xff: {  	v26 =	vadd.s32 s31, v1;
	[tilespmem:s22+$0x20] =	vst v11;
	v10 =	vld.idx.msk [tilespmem:v9+s17+$0x0], $0xffff  }
0x100: {  	s22 =	sadd.s32 $0x100, s22;
	v13 =	vld.idx.msk [tilespmem:v20+s17+$0x0], $0xffff;
	v20 =	vadd.s32 s10, v6;
	[tilespmem:s26+$0xFFFFFFF0] =	vst v12;
	s26 =	smov.u32 s0;
	s0 =	smov.u32 s29  }
.Ltmp1:
0x101: {  	v18 =	vadd.s32 s3, v3;
	s29 =	smov.u32 s30;
	s30 =	smov.u32 s22;
	[tilespmem:s22+$0x0] =	vst v16;
	v9 =	vld.idx.msk [tilespmem:v17+s17+$0x0], $0xffff;
	(pc) =	sbr.rel @p1 .LBB2_5-.Ltmp1, $4  }
0x102: {  	v19 =	vadd.s32 s28, v4;
	v15 =	vld.idx.msk [tilespmem:v22+s17+$0x0], $0xffff;
	[tilespmem:s26+$0x70] =	vst v21  }
0x103: {  	v14 =	vadd.s32 s13, v5;
	[tilespmem:s22+$0xFFFFFF80] =	vst v8;
	v8 =	vld.idx.msk [tilespmem:v24+s17+$0x0], $0xffff  }
0x104: {  	v11 =	vadd.s32 s6, v2;
	v12 =	vld.idx.msk [tilespmem:v26+s17+$0x0], $0xffff;
	[tilespmem:s0+$0x50] =	vst v25  }
0x105: {  	s12 =	sadd.s32 $0x2, s12;
	s23 =	sadd.s32 $0x1, s7;
	v16 =	vadd.s32 s2, v7;
	s2 =	smov.u32 s13;
	[tilespmem:s29+$0xFFFFFFA0] =	vst v23;
	v17 =	vld.idx.msk [tilespmem:v20+s17+$0x0], $0xffff  }
0x106: {  	v20 =	vadd.s32 s23, v0;
	_ =	sdelay $0x2  }
0x107: {  	v21 =	vadd.s32 s7, v1;
	_ =	sdelay $0x1  }
0x108: {  	[tilespmem:s29+$0x30] =	vst v13;
	v20 =	vld.idx.msk [tilespmem:v20+s17+$0x0], $0xffff  }
0x109: {  	v63 =	vadd.s32 s23, v1;
	[tilespmem:s0+$0xFFFFFFC0] =	vst v10;
	s12 =	sadd.s32 $0x100, s22  }
0x10a: {  	[tilespmem:s12+$0xFFFFFF80] =	vst v8  }
0x10b: {  	[tilespmem:s26+$0xFFFFFFE0] =	vst v9;
	v8 =	vld.idx.msk [tilespmem:v21+s17+$0x0], $0xffff  }
0x10c: {  	v22 =	vld.idx.msk [tilespmem:v18+s17+$0x0], $0xffff;
	v27 =	vadd.s32 s7, v2;
	[tilespmem:s22+$0x10] =	vst v15  }
0x10d: {  	v23 =	vld.idx.msk [tilespmem:v19+s17+$0x0], $0xffff;
	[tilespmem:s12+$0x0] =	vst v20  }
0x10e: {  	v24 =	vadd.s32 s31, v2;
	[tilespmem:s22+$0xFFFFFF90] =	vst v12;
	v13 =	vld.idx.msk [tilespmem:v63+s17+$0x0], $0xffff  }
0x10f: {  	v25 =	vadd.s32 s23, v2;
	v26 =	vld.idx.msk [tilespmem:v14+s17+$0x0], $0xffff;
	[tilespmem:s0+$0x60] =	vst v17  }
0x110: {  	v28 =	vadd.s32 s10, v7;
	v16 =	vld.idx.msk [tilespmem:v16+s17+$0x0], $0xffff;
	[tilespmem:s12+$0xFFFFFF90] =	vst v8  }
0x111: {  	v35 =	vadd.s32 s3, v4;
	[tilespmem:s29+$0xFFFFFFB0] =	vst v22;
	v32 =	vld.idx.msk [tilespmem:v27+s17+$0x0], $0xffff  }
0x112: {  	v34 =	vadd.s32 s7, v3;
	v11 =	vld.idx.msk [tilespmem:v11+s17+$0x0], $0xffff;
	[tilespmem:s29+$0x40] =	vst v23  }
0x113: {  	v30 =	vadd.s32 s6, v3;
	v18 =	vld.idx.msk [tilespmem:v24+s17+$0x0], $0xffff;
	[tilespmem:s12+$0x10] =	vst v13  }
0x114: {  	v31 =	vadd.s32 s31, v3;
	[tilespmem:s0+$0xFFFFFFD0] =	vst v26;
	v10 =	vld.idx.msk [tilespmem:v25+s17+$0x0], $0xffff  }
0x115: {  	v33 =	vld.idx.msk [tilespmem:v28+s17+$0x0], $0xffff;
	[tilespmem:s26+$0xFFFFFFF0] =	vst v16;
	v8 =	vadd.s32 s23, v3  }
0x116: {  	v29 =	vadd.s32 s28, v5;
	v40 =	vld.idx.msk [tilespmem:v35+s17+$0x0], $0xffff;
	[tilespmem:s12+$0xFFFFFFA0] =	vst v32  }
0x117: {  	v36 =	vadd.s32 s2, v6;
	[tilespmem:s22+$0x20] =	vst v11;
	v11 =	vld.idx.msk [tilespmem:v34+s17+$0x0], $0xffff  }
0x118: {  	v41 =	vadd.s32 s7, v4;
	v9 =	vld.idx.msk [tilespmem:v30+s17+$0x0], $0xffff;
	[tilespmem:s30+$0xFFFFFFA0] =	vst v18  }
0x119: {  	v37 =	vadd.s32 s6, v4;
	v13 =	vld.idx.msk [tilespmem:v31+s17+$0x0], $0xffff;
	[tilespmem:s12+$0x20] =	vst v10  }
0x11a: {  	v38 =	vadd.s32 s31, v4;
	[tilespmem:s0+$0x70] =	vst v33;
	v8 =	vld.idx.msk [tilespmem:v8+s17+$0x0], $0xffff  }
0x11b: {  	v39 =	vadd.s32 s23, v4;
	v15 =	vld.idx.msk [tilespmem:v29+s17+$0x0], $0xffff;
	[tilespmem:s29+$0xFFFFFFC0] =	vst v40  }
0x11c: {  	v42 =	vadd.s32 s28, v6;
	v16 =	vld.idx.msk [tilespmem:v36+s17+$0x0], $0xffff;
	[tilespmem:s12+$0xFFFFFFB0] =	vst v11  }
0x11d: {  	v43 =	vadd.s32 s3, v5;
	[tilespmem:s30+$0x30] =	vst v9;
	v46 =	vld.idx.msk [tilespmem:v41+s17+$0x0], $0xffff  }
0x11e: {  	v48 =	vadd.s32 s7, v5;
	v18 =	vld.idx.msk [tilespmem:v37+s17+$0x0], $0xffff;
	[tilespmem:s30+$0xFFFFFFB0] =	vst v13  }
0x11f: {  	v44 =	vadd.s32 s6, v5;
	v10 =	vld.idx.msk [tilespmem:v38+s17+$0x0], $0xffff;
	[tilespmem:s12+$0x30] =	vst v8  }
0x120: {  	[tilespmem:s29+$0x50] =	vst v15;
	v8 =	vadd.s32 s31, v5;
	v12 =	vld.idx.msk [tilespmem:v39+s17+$0x0], $0xffff  }
0x121: {  	v45 =	vadd.s32 s23, v5;
	[tilespmem:s0+$0xFFFFFFE0] =	vst v16;
	v47 =	vld.idx.msk [tilespmem:v42+s17+$0x0], $0xffff  }
0x122: {  	v49 =	vadd.s32 s2, v7;
	v9 =	vld.idx.msk [tilespmem:v43+s17+$0x0], $0xffff;
	[tilespmem:s12+$0xFFFFFFC0] =	vst v46  }
0x123: {  	v50 =	vadd.s32 s3, v6;
	[tilespmem:s30+$0x40] =	vst v18;
	v54 =	vld.idx.msk [tilespmem:v48+s17+$0x0], $0xffff  }
0x124: {  	v56 =	vadd.s32 s7, v6;
	v13 =	vld.idx.msk [tilespmem:v44+s17+$0x0], $0xffff;
	[tilespmem:s30+$0xFFFFFFC0] =	vst v10  }
0x125: {  	v51 =	vadd.s32 s6, v6;
	v8 =	vld.idx.msk [tilespmem:v8+s17+$0x0], $0xffff;
	[tilespmem:s12+$0x40] =	vst v12  }
0x126: {  	v52 =	vadd.s32 s31, v6;
	[tilespmem:s29+$0x60] =	vst v47;
	v11 =	vld.idx.msk [tilespmem:v45+s17+$0x0], $0xffff  }
0x127: {  	v53 =	vadd.s32 s23, v6;
	v55 =	vld.idx.msk [tilespmem:v49+s17+$0x0], $0xffff;
	[tilespmem:s29+$0xFFFFFFD0] =	vst v9  }
0x128: {  	v57 =	vadd.s32 s28, v7;
	v18 =	vld.idx.msk [tilespmem:v50+s17+$0x0], $0xffff;
	[tilespmem:s12+$0xFFFFFFD0] =	vst v54  }
0x129: {  	v58 =	vadd.s32 s3, v7;
	[tilespmem:s30+$0x50] =	vst v13;
	v9 =	vld.idx.msk [tilespmem:v56+s17+$0x0], $0xffff  }
0x12a: {  	v62 =	vadd.s32 s7, v7;
	v10 =	vld.idx.msk [tilespmem:v51+s17+$0x0], $0xffff;
	[tilespmem:s30+$0xFFFFFFD0] =	vst v8  }
0x12b: {  	v8 =	vadd.s32 s6, v7;
	v12 =	vld.idx.msk [tilespmem:v52+s17+$0x0], $0xffff;
	[tilespmem:s12+$0x50] =	vst v11  }
0x12c: {  	v59 =	vadd.s32 s31, v7;
	[tilespmem:s0+$0xFFFFFFF0] =	vst v55;
	v11 =	vld.idx.msk [tilespmem:v53+s17+$0x0], $0xffff  }
0x12d: {  	v60 =	vadd.s32 s23, v7;
	v61 =	vld.idx.msk [tilespmem:v57+s17+$0x0], $0xffff;
	[tilespmem:s29+$0xFFFFFFE0] =	vst v18  }
0x12e: {  	v13 =	vld.idx.msk [tilespmem:v58+s17+$0x0], $0xffff;
	[tilespmem:s12+$0xFFFFFFE0] =	vst v9  }
0x12f: {  	[tilespmem:s30+$0x60] =	vst v10;
	v9 =	vld.idx.msk [tilespmem:v62+s17+$0x0], $0xffff  }
0x130: {  	v8 =	vld.idx.msk [tilespmem:v8+s17+$0x0], $0xffff;
	[tilespmem:s30+$0xFFFFFFE0] =	vst v12  }
0x131: {  	v63 =	vld.idx.msk [tilespmem:v59+s17+$0x0], $0xffff;
	[tilespmem:s12+$0x60] =	vst v11  }
0x132: {  	[tilespmem:s29+$0x70] =	vst v61;
	v11 =	vld.idx.msk [tilespmem:v60+s17+$0x0], $0xffff  }
0x133: {  	p1 =	sne.s32 s24, $0x63;
	[tilespmem:s29+$0xFFFFFFF0] =	vst v13  }
.Ltmp2:
0x134: {  	s29 =	sshll.u32 s24, $0x13;
	[tilespmem:s12+$0xFFFFFFF0] =	vst v9;
	(pc) =	sbr.rel @p1 .LBB2_8-.Ltmp2, $4  }
0x135: {  	s0 =	sor.u32 s4, s29;
	[tilespmem:s30+$0x70] =	vst v8  }
0x136: {  	s0 =	sshrl.u32 s0, $0x3;
	[tilespmem:s30+$0xFFFFFFF0] =	vst v63  }
0x137: {  	s31 =	simm.s32 $0x10780;
	s0 =	sadd.s32 s1, s0;
	[tilespmem:s12+$0x70] =	vst v11  }
0x138: {  	[hbm4b:s0+s8] =	stream.strided.scatter [tilespmem:s31], [sflag:$0x3], $0x2000, s9, s8, $0x38;
	[tilespmem:$0x14780] =	vst v63  }
.Ltmp3:
0x139: {  	(pc) =	sbr.rel .LBB2_9-.Ltmp3, $4  }
0x13a: {  	_ = 	snop  }
0x13b: {  	_ =	swait.ge [sflag:s19], $0x4000  }
0x13c: {  	[sflag:s19] =	ssyncset.done $0x0  }
0x13d: {  	[sflag:s19] =	ssyncadd.s32 $0xFFFFC000  }
.LBB2_8:
0x13e: {  	s0 =	sshll.u32 s24, $0x8  }
0x13f: {  	s0 =	sand.u32 $0x3FFFFF00, s0  }
0x140: {  	v8 =	vld [tilespmem:s0+$0x100];
	_ =	sdelay $0x4  }
0x141: {  	v9 =	vshrl.u32 v8, $0x1;
	v10 =	vand.u32 $0x1FFF, v8;
	v8 =	vshrl.u32 v8, $0x7  }
0x142: {  	v9 =	vand.u32 $0x7FFFE000, v9;
	v8 =	vand.u32 $0x40, v8  }
0x143: {  	v9 =	vor.u32 v10, v9;
	[tilespmem:$0x6500] =	vst v8  }
0x144: {  	[tilespmem:$0x6400] =	vst v9  }
0x145: {  	v8 =	vld [tilespmem:s0+$0x110];
	_ =	sdelay $0x4  }
0x146: {  	v50 =	vshrl.u32 v8, $0x1;
	v51 =	vand.u32 $0x1FFF, v8;
	v8 =	vshrl.u32 v8, $0x7  }
0x147: {  	v9 =	vand.u32 $0x7FFFE000, v50;
	v8 =	vand.u32 $0x40, v8  }
0x148: {  	v9 =	vor.u32 v51, v9;
	[tilespmem:$0x6510] =	vst v8  }
0x149: {  	[tilespmem:$0x6410] =	vst v9  }
0x14a: {  	v8 =	vld [tilespmem:s0+$0x120];
	_ =	sdelay $0x4  }
0x14b: {  	v52 =	vshrl.u32 v8, $0x1;
	v53 =	vand.u32 $0x1FFF, v8;
	v8 =	vshrl.u32 v8, $0x7  }
0x14c: {  	v9 =	vand.u32 $0x7FFFE000, v52;
	v8 =	vand.u32 $0x40, v8  }
0x14d: {  	v9 =	vor.u32 v53, v9;
	[tilespmem:$0x6520] =	vst v8  }
0x14e: {  	[tilespmem:$0x6420] =	vst v9  }
0x14f: {  	v8 =	vld [tilespmem:s0+$0x130];
	_ =	sdelay $0x4  }
0x150: {  	v54 =	vshrl.u32 v8, $0x1;
	v55 =	vand.u32 $0x1FFF, v8;
	v8 =	vshrl.u32 v8, $0x7  }
0x151: {  	v9 =	vand.u32 $0x7FFFE000, v54;
	v8 =	vand.u32 $0x40, v8  }
0x152: {  	v9 =	vor.u32 v55, v9;
	[tilespmem:$0x6530] =	vst v8  }
0x153: {  	[tilespmem:$0x6430] =	vst v9  }
0x154: {  	v8 =	vld [tilespmem:s0+$0x140];
	_ =	sdelay $0x4  }
0x155: {  	v56 =	vshrl.u32 v8, $0x1;
	v57 =	vand.u32 $0x1FFF, v8;
	v8 =	vshrl.u32 v8, $0x7  }
0x156: {  	v9 =	vand.u32 $0x7FFFE000, v56;
	v8 =	vand.u32 $0x40, v8  }
0x157: {  	v9 =	vor.u32 v57, v9;
	[tilespmem:$0x6540] =	vst v8  }
0x158: {  	[tilespmem:$0x6440] =	vst v9  }
0x159: {  	v8 =	vld [tilespmem:s0+$0x150];
	_ =	sdelay $0x4  }
0x15a: {  	v58 =	vshrl.u32 v8, $0x1;
	v59 =	vand.u32 $0x1FFF, v8;
	v8 =	vshrl.u32 v8, $0x7  }
0x15b: {  	v9 =	vand.u32 $0x7FFFE000, v58;
	v8 =	vand.u32 $0x40, v8  }
0x15c: {  	v9 =	vor.u32 v59, v9;
	[tilespmem:$0x6550] =	vst v8  }
0x15d: {  	[tilespmem:$0x6450] =	vst v9  }
0x15e: {  	v8 =	vld [tilespmem:s0+$0x160];
	_ =	sdelay $0x4  }
0x15f: {  	v60 =	vshrl.u32 v8, $0x1;
	v61 =	vand.u32 $0x1FFF, v8;
	v8 =	vshrl.u32 v8, $0x7  }
0x160: {  	v9 =	vand.u32 $0x7FFFE000, v60;
	v8 =	vand.u32 $0x40, v8  }
0x161: {  	v9 =	vor.u32 v61, v9;
	[tilespmem:$0x6560] =	vst v8  }
0x162: {  	[tilespmem:$0x6460] =	vst v9  }
0x163: {  	v8 =	vld [tilespmem:s0+$0x170];
	_ =	sdelay $0x4  }
0x164: {  	v62 =	vshrl.u32 v8, $0x1;
	v63 =	vand.u32 $0x1FFF, v8;
	v8 =	vshrl.u32 v8, $0x7  }
0x165: {  	v9 =	vand.u32 $0x7FFFE000, v62;
	v8 =	vand.u32 $0x40, v8  }
0x166: {  	v9 =	vor.u32 v63, v9;
	[tilespmem:$0x6570] =	vst v8  }
.Ltmp4:
0x167: {  	s31 =	simm.s32 $0x6400;
	s2 =	simm.s32 $0x6700;
	[tilespmem:$0x6470] =	vst v9;
	(pc) =	sbr.rel @p0 .LBB2_10-.Ltmp4, $4  }
0x168: {  	[tilespmem:s2], [sflag:$0x1] =	stream.indirect.gather [hbm4b:s5+s11], $0x80, s31, s11, $0xb8;
	[tilespmem:$0x14780] =	vst v63  }
0x169: {  	_ =	swait.ge [sflag:s19], $0x4000  }
0x16a: {  	[sflag:s19] =	ssyncset.done $0x0  }
0x16b: {  	[sflag:s19] =	ssyncadd.s32 $0xFFFFC000  }
.LBB2_9:
0x16c: {  	_ =	swait.ge [sflag:s20], $0x2000  }
0x16d: {  	[sflag:s20] =	ssyncset.done $0x0  }
0x16e: {  	[sflag:s20] =	ssyncadd.s32 $0xFFFFE000  }
.LBB2_10:
0x16f: {  	s0 =	simm.s32 $0x6602  }
0x170: {  	v8 =	vld [tilespmem:s0+$0x1];
	_ =	sdelay $0x2  }
0x171: {  	v9 =	vld [tilespmem:s0+$0xFFFFFFFF]  }
0x172: {  	v10 =	vld [tilespmem:s0+$0x0]  }
0x173: {  	(v2sf) =	vpush v8, $0x0  }
0x174: {  	v11 =	vld [tilespmem:s0+$0xFFFFFFFE];
	_ =	sdelay $0x1  }
0x175: {  	(v2sf) =	vpush v9, $0x0  }
0x176: {  	(v2sf) =	vpush v10, $0x0;
	_ =	sdelay $0x1  }
0x177: {  	(v2sf) =	vpush v11, $0x0;
	_ =	sdelay $0x8  }
0x178: {  	s29 =	simm.s32 $0xA880;
	s28 =	simm.s32 $0xE782;
	s6 =	spop (v2sf)  }
0x179: {  	s31 =	simm.s32 $0x0;
	s2 =	sand.u32 $0x7F, s6;
	s3 =	sshll.u32 s6, $0x2  }
0x17a: {  	s26 =	simm.s32 $0x12800;
	s3 =	sand.u32 $0xFFFFFE00, s3;
	s7 =	sshll.u32 s2, $0x2  }
0x17b: {  	s0 =	spop (v2sf);
	s18 =	sadd.s32 $0x10, s6;
	s7 =	sor.u32 s7, s3  }
0x17c: {  	s2 =	spop (v2sf);
	s10 =	sand.u32 $0x7F, s0;
	s7 =	sshra.s32 s7, $0x2  }
0x17d: {  	s14 =	sshll.u32 s0, $0x2;
	s22 =	sand.u32 $0x7F, s18;
	s7 =	sadd.s32 $0xA880, s7  }
0x17e: {  	s18 =	sshll.u32 s18, $0x2;
	s3 =	spop (v2sf);
	s15 =	sand.u32 $0x7F, s2;
	v8 =	vld [tilespmem:s7+$0x0]  }
0x17f: {  	s30 =	sshll.u32 s2, $0x2;
	s14 =	sand.u32 $0xFFFFFE00, s14;
	s10 =	sshll.u32 s10, $0x2  }
0x180: {  	s18 =	sand.u32 $0xFFFFFE00, s18;
	s23 =	sshll.u32 s22, $0x2;
	s22 =	sadd.s32 $0x20, s6  }
0x181: {  	s12 =	sand.u32 $0x7F, s3;
	s13 =	sshll.u32 s3, $0x2;
	s15 =	sshll.u32 s15, $0x2  }
0x182: {  	s10 =	sor.u32 s10, s14;
	s13 =	sand.u32 $0xFFFFFE00, s13;
	s12 =	sshll.u32 s12, $0x2  }
0x183: {  	s10 =	sshra.s32 s10, $0x2;
	s12 =	sor.u32 s12, s13;
	s13 =	sor.u32 s23, s18;
	v8 =	vmul.f32 $8.000000000e+00, v8  }
0x184: {  	s7 =	sand.u32 $0xFFFFFE00, s30;
	s30 =	sadd.s32 $0x10, s3;
	s13 =	sshra.s32 s13, $0x2  }
0x185: {  	s10 =	sadd.s32 $0xA880, s10;
	s12 =	sshra.s32 s12, $0x2;
	s13 =	sadd.s32 $0xA880, s13;
	[tilespmem:s28+$0x41] =	vst v8  }
0x186: {  	s18 =	sadd.s32 $0x10, s0;
	s7 =	sor.u32 s15, s7;
	s12 =	sadd.s32 $0xA880, s12;
	v8 =	vld [tilespmem:s13+$0x0]  }
0x187: {  	s23 =	sand.u32 $0x7F, s22;
	s15 =	sadd.s32 $0x10, s2;
	s7 =	sshra.s32 s7, $0x2;
	v9 =	vld [tilespmem:s12+$0xFFFFFE80]  }
0x188: {  	s14 =	sshll.u32 s30, $0x2;
	v10 =	vld [tilespmem:s10+$0xFFFFFF00];
	s10 =	sand.u32 $0x7F, s18;
	s7 =	sadd.s32 $0xA880, s7  }
0x189: {  	s14 =	sand.u32 $0xFFFFFE00, s14;
	v11 =	vld [tilespmem:s7+$0xFFFFFF80];
	s13 =	sshll.u32 s18, $0x2;
	s18 =	sshll.u32 s22, $0x2  }
0x18a: {  	s10 =	sshll.u32 s10, $0x2;
	s7 =	sshll.u32 s23, $0x2;
	s18 =	sand.u32 $0xFFFFFE00, s18  }
0x18b: {  	s12 =	sand.u32 $0x7F, s30;
	s30 =	sand.u32 $0x7F, s15;
	s7 =	sor.u32 s7, s18;
	v8 =	vmul.f32 $8.000000000e+00, v8  }
0x18c: {  	s15 =	sshll.u32 s15, $0x2;
	s12 =	sshll.u32 s12, $0x2;
	v9 =	vmul.f32 $8.000000000e+00, v9;
	s7 =	sshra.s32 s7, $0x2  }
0x18d: {  	s15 =	sand.u32 $0xFFFFFE00, s15;
	s23 =	sshll.u32 s30, $0x2;
	v10 =	vmul.f32 $8.000000000e+00, v10;
	s7 =	sadd.s32 $0xA880, s7;
	[tilespmem:s28+$0x51] =	vst v8  }
0x18e: {  	s12 =	sor.u32 s12, s14;
	s30 =	sor.u32 s23, s15;
	s13 =	sand.u32 $0xFFFFFE00, s13;
	[tilespmem:s28+$0xFFFFFF7E] =	vst v9;
	v9 =	vmul.f32 $8.000000000e+00, v11;
	v8 =	vld [tilespmem:s7+$0x0]  }
0x18f: {  	[tilespmem:s28+$0xFFFFFFBF] =	vst v10;
	s13 =	sor.u32 s10, s13;
	s10 =	sshra.s32 s12, $0x2;
	s12 =	sshra.s32 s30, $0x2  }
0x190: {  	s13 =	sshra.s32 s13, $0x2;
	[tilespmem:s28+$0x0] =	vst v9;
	s7 =	sadd.s32 $0x30, s6;
	s6 =	simm.s32 $0x6606  }
.LBB2_11:
0x191: {  	v9 =	vld [tilespmem:s6+$0x1];
	s31 =	sadd.s32 $0x4, s31;
	s14 =	sand.u32 $0x7F, s7;
	s7 =	sshll.u32 s7, $0x2  }
0x192: {  	v10 =	vld [tilespmem:s6+$0xFFFFFFFF];
	p0 =	slt.u32 s31, $0x7C;
	s7 =	sand.u32 $0xFFFFFE00, s7;
	s14 =	sshll.u32 s14, $0x2  }
0x193: {  	s10 =	sadd.s32 s10, s29;
	s13 =	sadd.s32 s13, s29;
	v11 =	vld [tilespmem:s6+$0x0];
	v8 =	vmul.f32 $8.000000000e+00, v8;
	s7 =	sor.u32 s14, s7  }
0x194: {  	s12 =	sadd.s32 s12, s29;
	s14 =	sadd.s32 $0x20, s3;
	v12 =	vld [tilespmem:s6+$0xFFFFFFFE];
	s7 =	sshra.s32 s7, $0x2  }
0x195: {  	s15 =	sadd.s32 $0x20, s2;
	v13 =	vld [tilespmem:s10+$0xFFFFFE80];
	s10 =	sadd.s32 $0x20, s0;
	[tilespmem:s28+$0x61] =	vst v8;
	s7 =	sadd.s32 s7, s29  }
0x196: {  	s18 =	sand.u32 $0x7F, s14;
	s14 =	sshll.u32 s14, $0x2;
	(v2sf) =	vpush v9, $0x0;
	s22 =	sand.u32 $0x7F, s10;
	v8 =	vld [tilespmem:s7+$0x0]  }
0x197: {  	s7 =	sshll.u32 s10, $0x2;
	s10 =	sand.u32 $0x7F, s15;
	(v2sf) =	vpush v10, $0x0;
	v9 =	vld [tilespmem:s13+$0xFFFFFF00];
	s13 =	sshll.u32 s15, $0x2  }
0x198: {  	s14 =	sand.u32 $0xFFFFFE00, s14;
	s15 =	sshll.u32 s18, $0x2;
	s7 =	sand.u32 $0xFFFFFE00, s7;
	(v2sf) =	vpush v11, $0x0;
	v10 =	vld [tilespmem:s12+$0xFFFFFF80]  }
0x199: {  	s10 =	sshll.u32 s10, $0x2;
	s12 =	sshll.u32 s22, $0x2;
	s13 =	sand.u32 $0xFFFFFE00, s13;
	(v2sf) =	vpush v12, $0x0  }
0x19a: {  	s14 =	sor.u32 s15, s14;
	s7 =	sor.u32 s12, s7;
	s10 =	sor.u32 s10, s13;
	v11 =	vmul.f32 $8.000000000e+00, v13  }
0x19b: {  	s12 =	sshra.s32 s14, $0x2;
	s7 =	sshra.s32 s7, $0x2;
	s10 =	sshra.s32 s10, $0x2;
	v8 =	vmul.f32 $8.000000000e+00, v8  }
0x19c: {  	s12 =	sadd.s32 s12, s29;
	s7 =	sadd.s32 s7, s29;
	s10 =	sadd.s32 s10, s29;
	[tilespmem:s28+$0xFFFFFF8E] =	vst v11;
	v9 =	vmul.f32 $8.000000000e+00, v9  }
0x19d: {  	s2 =	sadd.s32 $0x30, s2;
	s3 =	sadd.s32 $0x30, s3;
	s0 =	sadd.s32 $0x30, s0;
	v11 =	vld [tilespmem:s12+$0xFFFFFE80];
	v10 =	vmul.f32 $8.000000000e+00, v10;
	[tilespmem:s28+$0x71] =	vst v8  }
0x19e: {  	s13 =	sand.u32 $0x7F, s0;
	s12 =	sand.u32 $0x7F, s3;
	s3 =	sshll.u32 s3, $0x2;
	[tilespmem:s28+$0xFFFFFFCF] =	vst v9  }
0x19f: {  	s0 =	sshll.u32 s0, $0x2;
	v8 =	vld [tilespmem:s7+$0xFFFFFF00];
	[tilespmem:s28+$0x10] =	vst v10;
	s7 =	sand.u32 $0x7F, s2;
	s2 =	sshll.u32 s2, $0x2  }
0x1a0: {  	s0 =	sand.u32 $0xFFFFFE00, s0;
	s3 =	sand.u32 $0xFFFFFE00, s3;
	s12 =	sshll.u32 s12, $0x2;
	v9 =	vld [tilespmem:s10+$0xFFFFFF80]  }
0x1a1: {  	s10 =	sshll.u32 s13, $0x2;
	s2 =	sand.u32 $0xFFFFFE00, s2;
	s7 =	sshll.u32 s7, $0x2  }
0x1a2: {  	s3 =	sor.u32 s12, s3;
	s0 =	sor.u32 s10, s0;
	s2 =	sor.u32 s7, s2;
	v10 =	vmul.f32 $8.000000000e+00, v11  }
0x1a3: {  	s3 =	sshra.s32 s3, $0x2;
	s0 =	sshra.s32 s0, $0x2;
	s2 =	sshra.s32 s2, $0x2  }
0x1a4: {  	s3 =	sadd.s32 s3, s29;
	s10 =	sadd.s32 s0, s29;
	s12 =	sadd.s32 s2, s29;
	[tilespmem:s28+$0xFFFFFF9E] =	vst v10;
	v8 =	vmul.f32 $8.000000000e+00, v8  }
0x1a5: {  	s30 =	simm.s32 $0x0;
	s29 =	sadd.s32 $0x200, s29;
	s7 =	spop (v2sf);
	v10 =	vld [tilespmem:s3+$0xFFFFFE80];
	v9 =	vmul.f32 $8.000000000e+00, v9  }
0x1a6: {  	s2 =	sand.u32 $0x7F, s7;
	s3 =	sshll.u32 s7, $0x2;
	s0 =	spop (v2sf);
	[tilespmem:s28+$0xFFFFFFDF] =	vst v8  }
0x1a7: {  	s3 =	sand.u32 $0xFFFFFE00, s3;
	s13 =	sshll.u32 s2, $0x2;
	s2 =	spop (v2sf);
	v8 =	vld [tilespmem:s10+$0xFFFFFF00];
	[tilespmem:s28+$0x20] =	vst v9  }
0x1a8: {  	s10 =	sand.u32 $0x7F, s0;
	s13 =	sor.u32 s13, s3;
	s3 =	spop (v2sf);
	v9 =	vld [tilespmem:s12+$0xFFFFFF80]  }
0x1a9: {  	s15 =	sshll.u32 s0, $0x2;
	s12 =	sand.u32 $0x7F, s3;
	s13 =	sshra.s32 s13, $0x2  }
0x1aa: {  	s18 =	sand.u32 $0x7F, s2;
	s14 =	sshll.u32 s3, $0x2;
	s13 =	sadd.s32 s13, s29;
	v10 =	vmul.f32 $8.000000000e+00, v10  }
0x1ab: {  	s22 =	sshll.u32 s2, $0x2;
	s10 =	sshll.u32 s10, $0x2;
	s14 =	sand.u32 $0xFFFFFE00, s14;
	v11 =	vld [tilespmem:s13+$0x0]  }
0x1ac: {  	s18 =	sshll.u32 s18, $0x2;
	s12 =	sshll.u32 s12, $0x2;
	s13 =	sand.u32 $0xFFFFFE00, s15;
	[tilespmem:s28+$0xFFFFFFAE] =	vst v10;
	v8 =	vmul.f32 $8.000000000e+00, v8  }
0x1ad: {  	s15 =	sand.u32 $0xFFFFFE00, s22;
	s22 =	sadd.s32 $0x10, s7;
	s12 =	sor.u32 s12, s14;
	v9 =	vmul.f32 $8.000000000e+00, v9  }
0x1ae: {  	s14 =	sand.u32 $0x7F, s22;
	s22 =	sshll.u32 s22, $0x2;
	s10 =	sor.u32 s10, s13;
	[tilespmem:s28+$0xFFFFFFEF] =	vst v8  }
0x1af: {  	s12 =	sshra.s32 s12, $0x2;
	s13 =	sand.u32 $0xFFFFFE00, s22;
	s14 =	sshll.u32 s14, $0x2;
	[tilespmem:s28+$0x30] =	vst v9  }
0x1b0: {  	s15 =	sor.u32 s18, s15;
	s18 =	sadd.s32 $0x10, s2;
	s13 =	sor.u32 s14, s13;
	v8 =	vmul.f32 $8.000000000e+00, v11  }
0x1b1: {  	s10 =	sshra.s32 s10, $0x2;
	s13 =	sshra.s32 s13, $0x2;
	s28 =	sadd.s32 $0x104, s28  }
0x1b2: {  	s12 =	sadd.s32 s12, s29;
	s14 =	sshra.s32 s15, $0x2;
	s13 =	sadd.s32 s13, s29;
	[tilespmem:s28+$0x41] =	vst v8  }
0x1b3: {  	s15 =	sadd.s32 $0x10, s3;
	s10 =	sadd.s32 s10, s29;
	s14 =	sadd.s32 s14, s29;
	v8 =	vld [tilespmem:s13+$0x0]  }
0x1b4: {  	s22 =	sadd.s32 $0x20, s7;
	s13 =	sadd.s32 $0x10, s0;
	v9 =	vld [tilespmem:s12+$0xFFFFFE80];
	s12 =	sand.u32 $0x7F, s15  }
0x1b5: {  	s23 =	sand.u32 $0x7F, s18;
	s15 =	sshll.u32 s15, $0x2;
	v10 =	vld [tilespmem:s10+$0xFFFFFF00];
	s10 =	sand.u32 $0x7F, s13  }
0x1b6: {  	s13 =	sshll.u32 s13, $0x2;
	v11 =	vld [tilespmem:s14+$0xFFFFFF80];
	s14 =	sand.u32 $0x7F, s22;
	s22 =	sshll.u32 s22, $0x2  }
0x1b7: {  	s18 =	sshll.u32 s18, $0x2;
	s22 =	sand.u32 $0xFFFFFE00, s22;
	s14 =	sshll.u32 s14, $0x2  }
0x1b8: {  	s15 =	sand.u32 $0xFFFFFE00, s15;
	s12 =	sshll.u32 s12, $0x2;
	v8 =	vmul.f32 $8.000000000e+00, v8;
	s14 =	sor.u32 s14, s22  }
.Ltmp5:
0x1b9: {  	s13 =	sand.u32 $0xFFFFFE00, s13;
	v9 =	vmul.f32 $8.000000000e+00, v9;
	s14 =	sshra.s32 s14, $0x2;
	(pc) =	sbr.rel @p0 .LBB2_11-.Ltmp5, $4  }
0x1ba: {  	s18 =	sand.u32 $0xFFFFFE00, s18;
	s10 =	sshll.u32 s10, $0x2;
	v10 =	vmul.f32 $8.000000000e+00, v10;
	[tilespmem:s28+$0x51] =	vst v8;
	s14 =	sadd.s32 s14, s29  }
0x1bb: {  	s12 =	sor.u32 s12, s15;
	s15 =	sshll.u32 s23, $0x2;
	s13 =	sor.u32 s10, s13;
	[tilespmem:s28+$0xFFFFFF7E] =	vst v9;
	v9 =	vmul.f32 $8.000000000e+00, v11;
	v8 =	vld [tilespmem:s14+$0x0]  }
0x1bc: {  	s10 =	sshra.s32 s12, $0x2;
	s12 =	sor.u32 s15, s18;
	s13 =	sshra.s32 s13, $0x2;
	[tilespmem:s28+$0xFFFFFFBF] =	vst v10  }
0x1bd: {  	s6 =	sadd.s32 $0x4, s6;
	s7 =	sadd.s32 $0x30, s7;
	s12 =	sshra.s32 s12, $0x2;
	[tilespmem:s28+$0x0] =	vst v9  }
0x1be: {  	s6 =	sand.u32 $0x7F, s7  }
0x1bf: {  	s18 =	sshll.u32 s7, $0x2;
	s10 =	sadd.s32 s10, s29;
	s13 =	sadd.s32 s13, s29  }
0x1c0: {  	s22 =	sadd.s32 $0x20, s3;
	s12 =	sadd.s32 s12, s29;
	s23 =	sadd.s32 $0x20, s0  }
0x1c1: {  	s14 =	sadd.s32 $0x20, s2;
	s7 =	sand.u32 $0xFFFFFE00, s18;
	s6 =	sshll.u32 s6, $0x2;
	v9 =	vld [tilespmem:s10+$0xFFFFFE80]  }
0x1c2: {  	s15 =	sand.u32 $0x7F, s22;
	v10 =	vld [tilespmem:s13+$0xFFFFFF00];
	s18 =	sand.u32 $0x7F, s23;
	s10 =	sshll.u32 s23, $0x2  }
0x1c3: {  	v11 =	vld [tilespmem:s12+$0xFFFFFF80];
	s23 =	sadd.s32 $0x30, s3;
	s6 =	sor.u32 s6, s7;
	s7 =	sshll.u32 s22, $0x2  }
0x1c4: {  	s22 =	sand.u32 $0x7F, s14;
	s14 =	sshll.u32 s14, $0x2;
	s15 =	sshll.u32 s15, $0x2  }
0x1c5: {  	s10 =	sand.u32 $0xFFFFFE00, s10;
	s13 =	sshll.u32 s18, $0x2;
	s7 =	sand.u32 $0xFFFFFE00, s7  }
0x1c6: {  	s3 =	sshll.u32 s23, $0x2;
	s14 =	sand.u32 $0xFFFFFE00, s14;
	s7 =	sor.u32 s15, s7;
	v9 =	vmul.f32 $8.000000000e+00, v9  }
0x1c7: {  	s12 =	sshll.u32 s22, $0x2;
	s10 =	sor.u32 s13, s10;
	s7 =	sshra.s32 s7, $0x2;
	v10 =	vmul.f32 $8.000000000e+00, v10  }
0x1c8: {  	s12 =	sor.u32 s12, s14;
	s10 =	sshra.s32 s10, $0x2;
	s7 =	sadd.s32 s7, s29;
	[tilespmem:s28+$0xFFFFFF8E] =	vst v9;
	v9 =	vmul.f32 $8.000000000e+00, v11  }
0x1c9: {  	s6 =	sshra.s32 s6, $0x2;
	s12 =	sshra.s32 s12, $0x2;
	s10 =	sadd.s32 s10, s29;
	[tilespmem:s28+$0xFFFFFFCF] =	vst v10;
	v11 =	vld [tilespmem:s7+$0xFFFFFE80]  }
0x1ca: {  	s13 =	sadd.s32 $0x30, s2;
	s3 =	sand.u32 $0xFFFFFE00, s3;
	s12 =	sadd.s32 s12, s29;
	v10 =	vld [tilespmem:s10+$0xFFFFFF00];
	[tilespmem:s28+$0x10] =	vst v9  }
0x1cb: {  	s6 =	sadd.s32 s6, s29;
	s14 =	sand.u32 $0x7F, s23;
	s2 =	sshll.u32 s13, $0x2;
	v9 =	vld [tilespmem:s12+$0xFFFFFF80]  }
0x1cc: {  	s18 =	sand.u32 $0x7F, s13;
	s2 =	sand.u32 $0xFFFFFE00, s2;
	s7 =	sadd.s32 $0x30, s0  }
0x1cd: {  	v8 =	vmul.f32 $8.000000000e+00, v8;
	s15 =	sand.u32 $0x7F, s7;
	s0 =	sshll.u32 s7, $0x2;
	s7 =	sshll.u32 s14, $0x2  }
0x1ce: {  	s0 =	sand.u32 $0xFFFFFE00, s0;
	s10 =	sshll.u32 s15, $0x2;
	s3 =	sor.u32 s7, s3;
	v11 =	vmul.f32 $8.000000000e+00, v11  }
0x1cf: {  	[tilespmem:s28+$0x61] =	vst v8;
	s22 =	sshll.u32 s18, $0x2;
	s0 =	sor.u32 s10, s0;
	s3 =	sshra.s32 s3, $0x2;
	v8 =	vmul.f32 $8.000000000e+00, v10  }
0x1d0: {  	s2 =	sor.u32 s22, s2;
	s0 =	sshra.s32 s0, $0x2;
	s3 =	sadd.s32 s3, s29;
	v10 =	vld [tilespmem:s6+$0x0];
	[tilespmem:s28+$0xFFFFFF9E] =	vst v11;
	v9 =	vmul.f32 $8.000000000e+00, v9  }
0x1d1: {  	s2 =	sshra.s32 s2, $0x2;
	s0 =	sadd.s32 s0, s29;
	[tilespmem:s28+$0xFFFFFFDF] =	vst v8;
	v11 =	vld [tilespmem:s3+$0xFFFFFE80]  }
0x1d2: {  	s2 =	sadd.s32 s2, s29;
	v8 =	vld [tilespmem:s0+$0xFFFFFF00];
	[tilespmem:s28+$0x20] =	vst v9  }
0x1d3: {  	v9 =	vld [tilespmem:s2+$0xFFFFFF80];
	_ =	sdelay $0x1  }
0x1d4: {  	s23 =	simm.s32 $0x1;
	v10 =	vmul.f32 $8.000000000e+00, v10  }
0x1d5: {  	v12 =	vadd.s32 s23, v0;
	v11 =	vmul.f32 $8.000000000e+00, v11  }
0x1d6: {  	[tilespmem:s28+$0x71] =	vst v10;
	v8 =	vmul.f32 $8.000000000e+00, v8  }
0x1d7: {  	[tilespmem:s28+$0xFFFFFFAE] =	vst v11;
	v9 =	vmul.f32 $8.000000000e+00, v9  }
0x1d8: {  	[tilespmem:s28+$0xFFFFFFEF] =	vst v8  }
0x1d9: {  	[tilespmem:s28+$0x30] =	vst v9  }
0x1da: {  	v8 =	vld.idx.msk [tilespmem:v12+s17+$0x0], $0xffff  }
0x1db: {  	v9 =	vadd.s32 s23, v1  }
0x1dc: {  	v10 =	vadd.s32 s30, v0;
	_ =	sdelay $0x1  }
0x1dd: {  	s10 =	simm.s32 $0x3  }
0x1de: {  	v12 =	vadd.s32 s10, v0;
	[tilespmem:s26+$0x0] =	vst v8  }
0x1df: {  	v8 =	vld.idx.msk [tilespmem:v9+s17+$0x0], $0xffff  }
0x1e0: {  	v9 =	vld.idx.msk [tilespmem:v10+s17+$0x0], $0xffff;
	v10 =	vadd.s32 s23, v2  }
0x1e1: {  	v11 =	vadd.s32 s30, v1;
	_ =	sdelay $0x1  }
0x1e2: {  	v12 =	vld.idx.msk [tilespmem:v12+s17+$0x0], $0xffff  }
0x1e3: {  	v14 =	vadd.s32 s10, v1;
	s2 =	simm.s32 $0x2;
	[tilespmem:s26+$0x10] =	vst v8  }
0x1e4: {  	v8 =	vadd.s32 s2, v0;
	[tilespmem:s26+$0xFFFFFF80] =	vst v9;
	v9 =	vld.idx.msk [tilespmem:v10+s17+$0x0], $0xffff  }
0x1e5: {  	v10 =	vld.idx.msk [tilespmem:v11+s17+$0x0], $0xffff;
	v11 =	vadd.s32 s23, v3  }
0x1e6: {  	s0 =	simm.s32 $0x12900  }
0x1e7: {  	v13 =	vadd.s32 s30, v2;
	[tilespmem:s0+$0x0] =	vst v12  }
0x1e8: {  	v14 =	vld.idx.msk [tilespmem:v14+s17+$0x0], $0xffff  }
0x1e9: {  	v15 =	vadd.s32 s10, v2;
	v8 =	vld.idx.msk [tilespmem:v8+s17+$0x0], $0xffff;
	[tilespmem:s26+$0x20] =	vst v9  }
0x1ea: {  	[tilespmem:s26+$0xFFFFFF90] =	vst v10;
	v9 =	vadd.s32 s2, v1;
	v10 =	vld.idx.msk [tilespmem:v11+s17+$0x0], $0xffff  }
0x1eb: {  	v12 =	vadd.s32 s23, v4  }
0x1ec: {  	v11 =	vld.idx.msk [tilespmem:v13+s17+$0x0], $0xffff  }
0x1ed: {  	s28 =	simm.s32 $0x5;
	[tilespmem:s0+$0x10] =	vst v14;
	v13 =	vadd.s32 s30, v3  }
0x1ee: {  	s3 =	simm.s32 $0x4;
	v14 =	vld.idx.msk [tilespmem:v15+s17+$0x0], $0xffff;
	[tilespmem:s0+$0xFFFFFF80] =	vst v8;
	v8 =	vadd.s32 s28, v0  }
0x1ef: {  	v16 =	vadd.s32 s3, v0;
	v9 =	vld.idx.msk [tilespmem:v9+s17+$0x0], $0xffff;
	[tilespmem:s26+$0x30] =	vst v10  }
0x1f0: {  	v17 =	vadd.s32 s10, v3;
	v10 =	vld.idx.msk [tilespmem:v12+s17+$0x0], $0xffff  }
0x1f1: {  	[tilespmem:s26+$0xFFFFFFA0] =	vst v11;
	v11 =	vadd.s32 s2, v2  }
0x1f2: {  	v12 =	vld.idx.msk [tilespmem:v13+s17+$0x0], $0xffff;
	v13 =	vadd.s32 s23, v5  }
0x1f3: {  	v15 =	vadd.s32 s30, v4;
	[tilespmem:s0+$0x20] =	vst v14;
	v8 =	vld.idx.msk [tilespmem:v8+s17+$0x0], $0xffff  }
0x1f4: {  	s31 =	simm.s32 $0x6;
	v16 =	vld.idx.msk [tilespmem:v16+s17+$0x0], $0xffff;
	[tilespmem:s0+$0xFFFFFF90] =	vst v9;
	v9 =	vadd.s32 s28, v1  }
0x1f5: {  	v17 =	vld.idx.msk [tilespmem:v17+s17+$0x0], $0xffff;
	[tilespmem:s26+$0x40] =	vst v10;
	v10 =	vadd.s32 s31, v0  }
0x1f6: {  	v18 =	vadd.s32 s10, v4;
	v11 =	vld.idx.msk [tilespmem:v11+s17+$0x0], $0xffff  }
0x1f7: {  	s29 =	simm.s32 $0x12A00;
	[tilespmem:s26+$0xFFFFFFB0] =	vst v12;
	v12 =	vld.idx.msk [tilespmem:v13+s17+$0x0], $0xffff;
	v13 =	vadd.s32 s3, v1  }
0x1f8: {  	v14 =	vld.idx.msk [tilespmem:v15+s17+$0x0], $0xffff;
	v15 =	vadd.s32 s23, v6;
	[tilespmem:s29+$0x0] =	vst v8  }
0x1f9: {  	[tilespmem:s29+$0xFFFFFF80] =	vst v16;
	v8 =	vadd.s32 s2, v3;
	v9 =	vld.idx.msk [tilespmem:v9+s17+$0x0], $0xffff  }
0x1fa: {  	[tilespmem:s0+$0x30] =	vst v17;
	v19 =	vld.idx.msk [tilespmem:v10+s17+$0x0], $0xffff;
	v10 =	vadd.s32 s30, v5  }
0x1fb: {  	s6 =	simm.s32 $0x7;
	v16 =	vadd.s32 s28, v2;
	v17 =	vld.idx.msk [tilespmem:v18+s17+$0x0], $0xffff;
	[tilespmem:s0+$0xFFFFFFA0] =	vst v11  }
0x1fc: {  	v13 =	vld.idx.msk [tilespmem:v13+s17+$0x0], $0xffff;
	[tilespmem:s26+$0x50] =	vst v12;
	v12 =	vadd.s32 s6, v0  }
0x1fd: {  	[tilespmem:s26+$0xFFFFFFC0] =	vst v14;
	v14 =	vadd.s32 s3, v2;
	v11 =	vld.idx.msk [tilespmem:v15+s17+$0x0], $0xffff  }
0x1fe: {  	v8 =	vld.idx.msk [tilespmem:v8+s17+$0x0], $0xffff;
	v15 =	vadd.s32 s23, v7  }
0x1ff: {  	[tilespmem:s29+$0x10] =	vst v9;
	v9 =	vld.idx.msk [tilespmem:v10+s17+$0x0], $0xffff;
	v10 =	vadd.s32 s10, v5  }
0x200: {  	v18 =	vadd.s32 s2, v4;
	[tilespmem:s0+$0x40] =	vst v17;
	v16 =	vld.idx.msk [tilespmem:v16+s17+$0x0], $0xffff  }
0x201: {  	v20 =	vadd.s32 s28, v3;
	v12 =	vld.idx.msk [tilespmem:v12+s17+$0x0], $0xffff;
	[tilespmem:s29+$0xFFFFFF90] =	vst v13  }
0x202: {  	v23 =	vadd.s32 s31, v1;
	s22 =	simm.s32 $0x12B00;
	[tilespmem:s26+$0x60] =	vst v11;
	v22 =	vld.idx.msk [tilespmem:v14+s17+$0x0], $0xffff  }
0x203: {  	[tilespmem:s22+$0xFFFFFF80] =	vst v19;
	v11 =	vadd.s32 s30, v6;
	v21 =	vld.idx.msk [tilespmem:v15+s17+$0x0], $0xffff  }
0x204: {  	s7 =	simm.s32 $0x8;
	[tilespmem:s0+$0xFFFFFFB0] =	vst v8;
	v15 =	vadd.s32 s6, v1;
	v17 =	vld.idx.msk [tilespmem:v10+s17+$0x0], $0xffff  }
0x205: {  	v8 =	vadd.s32 s7, v0;
	[tilespmem:s29+$0x20] =	vst v16;
	v10 =	vld.idx.msk [tilespmem:v18+s17+$0x0], $0xffff  }
0x206: {  	v16 =	vadd.s32 s10, v6;
	[tilespmem:s26+$0xFFFFFFD0] =	vst v9;
	v13 =	vld.idx.msk [tilespmem:v20+s17+$0x0], $0xffff  }
0x207: {  	v18 =	vadd.s32 s3, v3;
	[tilespmem:s22+$0x0] =	vst v12;
	v12 =	vld.idx.msk [tilespmem:v23+s17+$0x0], $0xffff  }
0x208: {  	v19 =	vadd.s32 s28, v4;
	v9 =	vld.idx.msk [tilespmem:v11+s17+$0x0], $0xffff  }
0x209: {  	v14 =	vadd.s32 s2, v5;
	[tilespmem:s29+$0xFFFFFFA0] =	vst v22;
	v15 =	vld.idx.msk [tilespmem:v15+s17+$0x0], $0xffff  }
0x20a: {  	v8 =	vld.idx.msk [tilespmem:v8+s17+$0x0], $0xffff;
	v11 =	vadd.s32 s6, v2;
	[tilespmem:s0+$0x50] =	vst v17  }
0x20b: {  	s12 =	simm.s32 $0xA;
	s23 =	simm.s32 $0x9;
	[tilespmem:s26+$0x70] =	vst v21;
	v17 =	vld.idx.msk [tilespmem:v16+s17+$0x0], $0xffff;
	v16 =	vadd.s32 s30, v7;
	s30 =	simm.s32 $0x12B00  }
.LBB2_13:
0x20c: {  	p0 =	slt.u32 s12, $0x3E;
	v20 =	vadd.s32 s23, v0;
	v18 =	vld.idx.msk [tilespmem:v18+s17+$0x0], $0xffff;
	[tilespmem:s29+$0x30] =	vst v13;
	s13 =	smov.u32 s3;
	s3 =	smov.u32 s31  }
0x20d: {  	v13 =	vld.idx.msk [tilespmem:v19+s17+$0x0], $0xffff;
	[tilespmem:s0+$0xFFFFFFC0] =	vst v10;
	v10 =	vadd.s32 s10, v7;
	s10 =	smov.u32 s28;
	s28 =	smov.u32 s6;
	s6 =	smov.u32 s23  }
0x20e: {  	s31 =	smov.u32 s7;
	s7 =	smov.u32 s12;
	v19 =	vadd.s32 s3, v2;
	[tilespmem:s22+$0x10] =	vst v15;
	v14 =	vld.idx.msk [tilespmem:v14+s17+$0x0], $0xffff  }
0x20f: {  	v15 =	vadd.s32 s10, v5;
	v11 =	vld.idx.msk [tilespmem:v11+s17+$0x0], $0xffff;
	[tilespmem:s26+$0xFFFFFFE0] =	vst v9  }
0x210: {  	v9 =	vadd.s32 s13, v4;
	[tilespmem:s22+$0xFFFFFF90] =	vst v12;
	v12 =	vld.idx.msk [tilespmem:v16+s17+$0x0], $0xffff  }
0x211: {  	v16 =	vld.idx.msk [tilespmem:v20+s17+$0x0], $0xffff;
	v20 =	vadd.s32 s28, v3;
	[tilespmem:s0+$0x60] =	vst v17  }
0x212: {  	v17 =	vadd.s32 s2, v6;
	[tilespmem:s29+$0xFFFFFFB0] =	vst v18;
	v21 =	vld.idx.msk [tilespmem:v10+s17+$0x0], $0xffff  }
0x213: {  	v22 =	vadd.s32 s6, v1;
	v23 =	vld.idx.msk [tilespmem:v19+s17+$0x0], $0xffff;
	[tilespmem:s29+$0x40] =	vst v13  }
0x214: {  	v24 =	vadd.s32 s12, v0;
	v25 =	vld.idx.msk [tilespmem:v15+s17+$0x0], $0xffff;
	[tilespmem:s0+$0xFFFFFFD0] =	vst v14  }
0x215: {  	v26 =	vadd.s32 s31, v1;
	[tilespmem:s22+$0x20] =	vst v11;
	v10 =	vld.idx.msk [tilespmem:v9+s17+$0x0], $0xffff  }
0x216: {  	s22 =	sadd.s32 $0x100, s22;
	v13 =	vld.idx.msk [tilespmem:v20+s17+$0x0], $0xffff;
	v20 =	vadd.s32 s10, v6;
	[tilespmem:s26+$0xFFFFFFF0] =	vst v12;
	s26 =	smov.u32 s0;
	s0 =	smov.u32 s29  }
.Ltmp6:
0x217: {  	v18 =	vadd.s32 s3, v3;
	s29 =	smov.u32 s30;
	s30 =	smov.u32 s22;
	[tilespmem:s22+$0x0] =	vst v16;
	v9 =	vld.idx.msk [tilespmem:v17+s17+$0x0], $0xffff;
	(pc) =	sbr.rel @p0 .LBB2_13-.Ltmp6, $4  }
0x218: {  	v19 =	vadd.s32 s28, v4;
	v15 =	vld.idx.msk [tilespmem:v22+s17+$0x0], $0xffff;
	[tilespmem:s26+$0x70] =	vst v21  }
0x219: {  	v14 =	vadd.s32 s13, v5;
	[tilespmem:s22+$0xFFFFFF80] =	vst v8;
	v8 =	vld.idx.msk [tilespmem:v24+s17+$0x0], $0xffff  }
0x21a: {  	v11 =	vadd.s32 s6, v2;
	v12 =	vld.idx.msk [tilespmem:v26+s17+$0x0], $0xffff;
	[tilespmem:s0+$0x50] =	vst v25  }
0x21b: {  	s12 =	sadd.s32 $0x2, s12;
	s23 =	sadd.s32 $0x1, s7;
	v16 =	vadd.s32 s2, v7;
	s2 =	smov.u32 s13;
	[tilespmem:s29+$0xFFFFFFA0] =	vst v23;
	v17 =	vld.idx.msk [tilespmem:v20+s17+$0x0], $0xffff  }
0x21c: {  	v20 =	vadd.s32 s23, v0;
	_ =	sdelay $0x2  }
0x21d: {  	v21 =	vadd.s32 s7, v1;
	_ =	sdelay $0x1  }
0x21e: {  	[tilespmem:s29+$0x30] =	vst v13;
	v20 =	vld.idx.msk [tilespmem:v20+s17+$0x0], $0xffff  }
0x21f: {  	v63 =	vadd.s32 s23, v1;
	[tilespmem:s0+$0xFFFFFFC0] =	vst v10;
	s12 =	sadd.s32 $0x100, s22  }
0x220: {  	[tilespmem:s12+$0xFFFFFF80] =	vst v8  }
0x221: {  	[tilespmem:s26+$0xFFFFFFE0] =	vst v9;
	v8 =	vld.idx.msk [tilespmem:v21+s17+$0x0], $0xffff  }
0x222: {  	v22 =	vld.idx.msk [tilespmem:v18+s17+$0x0], $0xffff;
	v27 =	vadd.s32 s7, v2;
	[tilespmem:s22+$0x10] =	vst v15  }
0x223: {  	v23 =	vld.idx.msk [tilespmem:v19+s17+$0x0], $0xffff;
	[tilespmem:s12+$0x0] =	vst v20  }
0x224: {  	v24 =	vadd.s32 s31, v2;
	[tilespmem:s22+$0xFFFFFF90] =	vst v12;
	v13 =	vld.idx.msk [tilespmem:v63+s17+$0x0], $0xffff  }
0x225: {  	v25 =	vadd.s32 s23, v2;
	v26 =	vld.idx.msk [tilespmem:v14+s17+$0x0], $0xffff;
	[tilespmem:s0+$0x60] =	vst v17  }
0x226: {  	v28 =	vadd.s32 s10, v7;
	v16 =	vld.idx.msk [tilespmem:v16+s17+$0x0], $0xffff;
	[tilespmem:s12+$0xFFFFFF90] =	vst v8  }
0x227: {  	v35 =	vadd.s32 s3, v4;
	[tilespmem:s29+$0xFFFFFFB0] =	vst v22;
	v32 =	vld.idx.msk [tilespmem:v27+s17+$0x0], $0xffff  }
0x228: {  	v34 =	vadd.s32 s7, v3;
	v11 =	vld.idx.msk [tilespmem:v11+s17+$0x0], $0xffff;
	[tilespmem:s29+$0x40] =	vst v23  }
0x229: {  	v30 =	vadd.s32 s6, v3;
	v18 =	vld.idx.msk [tilespmem:v24+s17+$0x0], $0xffff;
	[tilespmem:s12+$0x10] =	vst v13  }
0x22a: {  	v31 =	vadd.s32 s31, v3;
	[tilespmem:s0+$0xFFFFFFD0] =	vst v26;
	v10 =	vld.idx.msk [tilespmem:v25+s17+$0x0], $0xffff  }
0x22b: {  	v33 =	vld.idx.msk [tilespmem:v28+s17+$0x0], $0xffff;
	[tilespmem:s26+$0xFFFFFFF0] =	vst v16;
	v8 =	vadd.s32 s23, v3  }
0x22c: {  	v29 =	vadd.s32 s28, v5;
	v40 =	vld.idx.msk [tilespmem:v35+s17+$0x0], $0xffff;
	[tilespmem:s12+$0xFFFFFFA0] =	vst v32  }
0x22d: {  	v36 =	vadd.s32 s2, v6;
	[tilespmem:s22+$0x20] =	vst v11;
	v11 =	vld.idx.msk [tilespmem:v34+s17+$0x0], $0xffff  }
0x22e: {  	v41 =	vadd.s32 s7, v4;
	v9 =	vld.idx.msk [tilespmem:v30+s17+$0x0], $0xffff;
	[tilespmem:s30+$0xFFFFFFA0] =	vst v18  }
0x22f: {  	v37 =	vadd.s32 s6, v4;
	v13 =	vld.idx.msk [tilespmem:v31+s17+$0x0], $0xffff;
	[tilespmem:s12+$0x20] =	vst v10  }
0x230: {  	v38 =	vadd.s32 s31, v4;
	[tilespmem:s0+$0x70] =	vst v33;
	v8 =	vld.idx.msk [tilespmem:v8+s17+$0x0], $0xffff  }
0x231: {  	v39 =	vadd.s32 s23, v4;
	v15 =	vld.idx.msk [tilespmem:v29+s17+$0x0], $0xffff;
	[tilespmem:s29+$0xFFFFFFC0] =	vst v40  }
0x232: {  	v42 =	vadd.s32 s28, v6;
	v16 =	vld.idx.msk [tilespmem:v36+s17+$0x0], $0xffff;
	[tilespmem:s12+$0xFFFFFFB0] =	vst v11  }
0x233: {  	v43 =	vadd.s32 s3, v5;
	[tilespmem:s30+$0x30] =	vst v9;
	v46 =	vld.idx.msk [tilespmem:v41+s17+$0x0], $0xffff  }
0x234: {  	v48 =	vadd.s32 s7, v5;
	v18 =	vld.idx.msk [tilespmem:v37+s17+$0x0], $0xffff;
	[tilespmem:s30+$0xFFFFFFB0] =	vst v13  }
0x235: {  	v44 =	vadd.s32 s6, v5;
	v10 =	vld.idx.msk [tilespmem:v38+s17+$0x0], $0xffff;
	[tilespmem:s12+$0x30] =	vst v8  }
0x236: {  	[tilespmem:s29+$0x50] =	vst v15;
	v8 =	vadd.s32 s31, v5;
	v12 =	vld.idx.msk [tilespmem:v39+s17+$0x0], $0xffff  }
0x237: {  	v45 =	vadd.s32 s23, v5;
	[tilespmem:s0+$0xFFFFFFE0] =	vst v16;
	v47 =	vld.idx.msk [tilespmem:v42+s17+$0x0], $0xffff  }
0x238: {  	v49 =	vadd.s32 s2, v7;
	v9 =	vld.idx.msk [tilespmem:v43+s17+$0x0], $0xffff;
	[tilespmem:s12+$0xFFFFFFC0] =	vst v46  }
0x239: {  	v50 =	vadd.s32 s3, v6;
	[tilespmem:s30+$0x40] =	vst v18;
	v54 =	vld.idx.msk [tilespmem:v48+s17+$0x0], $0xffff  }
0x23a: {  	v56 =	vadd.s32 s7, v6;
	v13 =	vld.idx.msk [tilespmem:v44+s17+$0x0], $0xffff;
	[tilespmem:s30+$0xFFFFFFC0] =	vst v10  }
0x23b: {  	v51 =	vadd.s32 s6, v6;
	v8 =	vld.idx.msk [tilespmem:v8+s17+$0x0], $0xffff;
	[tilespmem:s12+$0x40] =	vst v12  }
0x23c: {  	v52 =	vadd.s32 s31, v6;
	[tilespmem:s29+$0x60] =	vst v47;
	v11 =	vld.idx.msk [tilespmem:v45+s17+$0x0], $0xffff  }
0x23d: {  	v53 =	vadd.s32 s23, v6;
	v55 =	vld.idx.msk [tilespmem:v49+s17+$0x0], $0xffff;
	[tilespmem:s29+$0xFFFFFFD0] =	vst v9  }
0x23e: {  	v57 =	vadd.s32 s28, v7;
	v18 =	vld.idx.msk [tilespmem:v50+s17+$0x0], $0xffff;
	[tilespmem:s12+$0xFFFFFFD0] =	vst v54  }
0x23f: {  	v58 =	vadd.s32 s3, v7;
	[tilespmem:s30+$0x50] =	vst v13;
	v9 =	vld.idx.msk [tilespmem:v56+s17+$0x0], $0xffff  }
0x240: {  	v62 =	vadd.s32 s7, v7;
	v10 =	vld.idx.msk [tilespmem:v51+s17+$0x0], $0xffff;
	[tilespmem:s30+$0xFFFFFFD0] =	vst v8  }
0x241: {  	v8 =	vadd.s32 s6, v7;
	v12 =	vld.idx.msk [tilespmem:v52+s17+$0x0], $0xffff;
	[tilespmem:s12+$0x50] =	vst v11  }
0x242: {  	v59 =	vadd.s32 s31, v7;
	[tilespmem:s0+$0xFFFFFFF0] =	vst v55;
	v11 =	vld.idx.msk [tilespmem:v53+s17+$0x0], $0xffff  }
0x243: {  	v60 =	vadd.s32 s23, v7;
	v61 =	vld.idx.msk [tilespmem:v57+s17+$0x0], $0xffff;
	[tilespmem:s29+$0xFFFFFFE0] =	vst v18  }
0x244: {  	v13 =	vld.idx.msk [tilespmem:v58+s17+$0x0], $0xffff;
	[tilespmem:s12+$0xFFFFFFE0] =	vst v9  }
0x245: {  	[tilespmem:s30+$0x60] =	vst v10;
	v9 =	vld.idx.msk [tilespmem:v62+s17+$0x0], $0xffff  }
0x246: {  	v8 =	vld.idx.msk [tilespmem:v8+s17+$0x0], $0xffff;
	[tilespmem:s30+$0xFFFFFFE0] =	vst v12  }
0x247: {  	v63 =	vld.idx.msk [tilespmem:v59+s17+$0x0], $0xffff;
	[tilespmem:s12+$0x60] =	vst v11  }
0x248: {  	s24 =	sadd.s32 $0x1, s24;
	[tilespmem:s29+$0x70] =	vst v61;
	v11 =	vld.idx.msk [tilespmem:v60+s17+$0x0], $0xffff  }
0x249: {  	p0 =	sne.s32 s24, $0x64;
	[tilespmem:s29+$0xFFFFFFF0] =	vst v13  }
.Ltmp7:
0x24a: {  	s31 =	sshll.u32 s25, $0x12;
	[tilespmem:s12+$0xFFFFFFF0] =	vst v9;
	(pc) =	sbr.rel @p0 .LBB2_2-.Ltmp7, $4  }
0x24b: {  	s0 =	sor.u32 s4, s31;
	[tilespmem:s30+$0x70] =	vst v8  }
0x24c: {  	s0 =	sshrl.u32 s0, $0x3;
	[tilespmem:s30+$0xFFFFFFF0] =	vst v63  }
0x24d: {  	s0 =	sadd.s32 s1, s0;
	[tilespmem:s12+$0x70] =	vst v11  }
0x24e: {  	[hbm4b:s0+s8] =	stream.strided.scatter [tilespmem:s21], [sflag:$0x4], $0x2000, s9, s8, $0x38;
	[tilespmem:$0x14780] =	vst v63  }
0x24f: {  	s0 =	simm.s32 $0x3  }
0x250: {  	_ =	swait.ge [sflag:s0], $0x2000  }
0x251: {  	[sflag:s0] =	ssyncset.done $0x0  }
0x252: {  	[sflag:s0] =	ssyncadd.s32 $0xFFFFE000  }
0x253: {  	_ =	swait.ge [sflag:s20], $0x2000  }
0x254: {  	s2 =	rddreg [dreg:$0x6]  }
0x255: {  	s31 =	rddreg [dreg:$0x5];
	s2 =	sadd.s32 $0x1, s2  }
0x256: {  	p0 =	sne.s32 s2, s31  }
.Ltmp8:
0x257: {  	_ = 	snop;
	(pc) =	sbr.rel @p0 .LBB2_1-.Ltmp8, $3  }
0x258: {  	_ =	sdelay $0x1  }
0x259: {  	[sflag:s20] =	ssyncset.done $0x0  }
0x25a: {  	[sflag:s20] =	ssyncadd.s32 $0xFFFFE000  }
0x25b: {  	_ =	sfence.sel $0x180000  }
0x25c: {  	[bflag:$0x0] =	sbarrier.arrive $0xFFFF  }
0x25d: {  	_ =	strace $0x90000047  }
0x25e: {  	s0 =	stileid.u32;
	[bflag:$0x2] =	sbarrier.arrive $0xFFFF  }
0x25f: {  	p0 =	sne.s32 s0, $0x0;
	s0 =	rddreg [dreg:$0x3]  }
0x260: {  	s0 =	sadd.s32 @!p0 $0x100000, s0  }
0x261: {  	[sflag:s0] =	ssyncadd.tile.s32 @!p0 $0x1;
	_ =	shalt  }
.Lfunc_end2:
_tile_overlayer_lowered:
.L_overlay_start_2:
0x262: {  	(tag) =	ssettag $0x2  }
0x263: {  	s0 =	rddreg [dreg:$0x0];
	s2 =	stileid.u32  }
0x264: {  	s1 =	rddreg [dreg:$0x1];
	p0 =	sne.s32 s2, $0x0  }
0x265: {  	s3 =	rddreg [dreg:$0x2];
	[bflag:$0x3] =	sbarrier.arrive $0xFFFF;
	s2 =	simm.s32 @!p0 $0x1C05  }
0x266: {  	[timem:s3], [sflag:s2] =	dma.local @!p0 [hbm:s0], s1  }
0x267: {  	s0 =	simm.s32 @!p0 $0x5  }
0x268: {  	_ =	swait.ge @!p0 [sflag:s0], s1  }
0x269: {  	s1 =	ssub.s32 @!p0 $0x0, s1;
	[sflag:s0] =	ssyncset.done @!p0 $0x0  }
0x26a: {  	[sflag:s0] =	ssyncadd.s32 @!p0 s1  }
0x26b: {  	[bflag:$0x3] =	sbarrier.arrive $0xFFFF  }
0x26c: {  	_ =	shalt  }

</sc_bundles>
